<compile_context>
chip_gen: v7x
topology: tpu7x:2x2x1
jax: 0.10.2.dev20260603
libtpu: 0.0.44.dev20260713+nightly
codegen_flags: <defaults>
</compile_context>

<pallas_src>
import functools

import jax
import jax.numpy as jnp
from jax import lax
from jax.experimental import pallas as pl
from jax.experimental.pallas import tpu as pltpu
from jax.experimental.pallas import tpu_sc as plsc

L = 16
NC, NS = 2, 16
NW = NC * NS
CHUNK = 512

_FIELDS = (
    (0, 0, 32),
    (1, 32, 32),
    (2, 64, 16),
    (3, 80, 16),
    (3, 96, 16),
    (3, 112, 16),
    (3, 128, 16),
    (3, 144, 16),
)


def _sc_body(lat_hbm, form_hbm, lemma_hbm, tag_hbm, feats_hbm, out_hbm,
             lat_v, *rest):
    idx_vs, row_vs, sem = rest[:8], rest[8:16], rest[16]
    tables = (form_hbm, lemma_hbm, tag_hbm, feats_hbm)
    n_rows = out_hbm.shape[0]
    per_w = n_rows // NW
    n_chunks = per_w // CHUNK

    wid = lax.axis_index("s") * NC + lax.axis_index("c")
    lane = lax.iota(jnp.int32, L)
    pats = [lane * 8 + f for f in range(8)]

    def chunk_body(ci, carry):
        base = wid * per_w + ci * CHUNK
        pltpu.sync_copy(lat_hbm.at[pl.ds(base * 8, CHUNK * 8)], lat_v)

        def extract(j, c):
            off = j * (L * 8)
            for f in range(8):
                vals = plsc.load_gather(lat_v, [pats[f] + off])
                idx_vs[f][pl.ds(j * L, L)] = vals
            return c

        lax.fori_loop(0, CHUNK // L, extract, 0, unroll=2)

        handles = []
        for f, (t, _, _) in enumerate(_FIELDS):
            handles.append(
                pltpu.async_copy(tables[t].at[idx_vs[f]], row_vs[f], sem))
        for h in handles:
            h.wait()

        for f, (_, col, width) in enumerate(_FIELDS):
            pltpu.sync_copy(
                row_vs[f], out_hbm.at[pl.ds(base, CHUNK), pl.ds(col, width)])
        return carry

    lax.fori_loop(0, n_chunks, chunk_body, 0)


def kernel(lattices, form_table, lemma_table, tag_table, feats_table):
    b, t, a, m, _ = lattices.shape
    n = b * t * a * m
    lat_flat = lattices.reshape(n * 8)

    scratch_types = [pltpu.VMEM((CHUNK * 8,), jnp.int32)]
    scratch_types += [pltpu.VMEM((CHUNK,), jnp.int32) for _ in range(8)]
    scratch_types += [pltpu.VMEM((CHUNK, w), jnp.float32)
                      for (_, _, w) in _FIELDS]
    scratch_types.append(pltpu.SemaphoreType.DMA)

    mesh = plsc.VectorSubcoreMesh(core_axis_name="c", subcore_axis_name="s")
    out = pl.kernel(
        _sc_body,
        mesh=mesh,
        out_type=jax.ShapeDtypeStruct((n, 160), jnp.float32),
        scratch_types=scratch_types,
        compiler_params=pltpu.CompilerParams(
            use_tc_tiling_on_sc=False, needs_layout_passes=False),
    )(lat_flat, form_table, lemma_table, tag_table, feats_table)
    return out.reshape(b, t, a, m, 160)

# --- scband reference (transcript-rebuilt; emitter-appended) ---
"""Pipeline reference for scband-morph-embedding-48490180771917 (READ-ONLY COPY).

The authoritative reference and input builder live on the scoring server;
editing this copy changes nothing except your own understanding.
"""

import jax, jax.numpy as jnp
import numpy as np

B, T, A, M = 128, 128, 4, 4
NUM_FEATS = 5
FORM_VOCAB, LEMMA_VOCAB, TAG_VOCAB, FEATS_VOCAB = 100000, 100000, 1000, 1000
FORM_DIM, LEMMA_DIM, TAG_DIM, FEATS_DIM = 32, 32, 16, 16


def setup_inputs(seed: int = 0) -> dict:
    key = jax.random.key(seed)
    k0, k1, k2, k3, k4 = jax.random.split(key, 5)
    # int32 used here because jax disables x64 by default; values identical in range [0, 1000)
    lattices = jax.random.randint(k0, (B, T, A, M, 3 + NUM_FEATS), 0, 1000, dtype=jnp.int32)
    form_table = jax.random.normal(k1, (FORM_VOCAB, FORM_DIM), dtype=jnp.float32)
    lemma_table = jax.random.normal(k2, (LEMMA_VOCAB, LEMMA_DIM), dtype=jnp.float32)
    tag_table = jax.random.normal(k3, (TAG_VOCAB, TAG_DIM), dtype=jnp.float32)
    feats_table = jax.random.normal(k4, (FEATS_VOCAB, FEATS_DIM), dtype=jnp.float32)
    return {
        "lattices": lattices,
        "form_table": form_table,
        "lemma_table": lemma_table,
        "tag_table": tag_table,
        "feats_table": feats_table,
    }


def reference(lattices, form_table, lemma_table, tag_table, feats_table):
    # Slice the lattice index columns exactly like the torch module
    forms = lattices[:, :, :, :, 0]
    lemmas = lattices[:, :, :, :, 1]
    tags = lattices[:, :, :, :, 2]
    feats = lattices[:, :, :, :, 3:]
    # Embedding lookups (gathers)
    embedded_forms = jnp.take(form_table, forms, axis=0)    # [B,T,A,M,FORM_DIM]
    embedded_lemmas = jnp.take(lemma_table, lemmas, axis=0)  # [B,T,A,M,LEMMA_DIM]
    embedded_tags = jnp.take(tag_table, tags, axis=0)        # [B,T,A,M,TAG_DIM]
    embedded_feats = jnp.take(feats_table, feats, axis=0)    # [B,T,A,M,NUM_FEATS,FEATS_DIM]
    b, t, a, m = lattices.shape[0], lattices.shape[1], lattices.shape[2], lattices.shape[3]
    # Flatten per-morpheme feature embeddings so the last dim matches the declared
    # embedding_dim = form+lemma+tag + feats_dim*num_feats
    embedded_feats = embedded_feats.reshape(b, t, a, m, -1)  # [B,T,A,M,NUM_FEATS*FEATS_DIM]
    return jnp.concatenate([embedded_forms, embedded_lemmas, embedded_tags, embedded_feats], axis=-1)

if __name__ == "__main__":
    import jax
    _d = setup_inputs()
    print(jax.jit(kernel)(*tuple(_d.values())))

</pallas_src>

<mosaic_0001>
#map = affine_map<(d0, d1) -> (0)>
#map1 = affine_map<(d0, d1) -> (0, 0)>
module attributes {stable_mosaic.version = 14 : i64} {
  func.func @_sc_body(%arg0: i32, %arg1: i32, %arg2: memref<2097152xi32, #tpu.memory_space<hbm>>, %arg3: memref<100000x32xf32, #tpu.memory_space<hbm>>, %arg4: memref<100000x32xf32, #tpu.memory_space<hbm>>, %arg5: memref<1000x16xf32, #tpu.memory_space<hbm>>, %arg6: memref<1000x16xf32, #tpu.memory_space<hbm>>, %arg7: memref<262144x160xf32, #tpu.memory_space<hbm>>, %arg8: memref<4096xi32, #tpu.memory_space<vmem>>, %arg9: memref<512xi32, #tpu.memory_space<vmem>>, %arg10: memref<512xi32, #tpu.memory_space<vmem>>, %arg11: memref<512xi32, #tpu.memory_space<vmem>>, %arg12: memref<512xi32, #tpu.memory_space<vmem>>, %arg13: memref<512xi32, #tpu.memory_space<vmem>>, %arg14: memref<512xi32, #tpu.memory_space<vmem>>, %arg15: memref<512xi32, #tpu.memory_space<vmem>>, %arg16: memref<512xi32, #tpu.memory_space<vmem>>, %arg17: memref<512x32xf32, #tpu.memory_space<vmem>>, %arg18: memref<512x32xf32, #tpu.memory_space<vmem>>, %arg19: memref<512x16xf32, #tpu.memory_space<vmem>>, %arg20: memref<512x16xf32, #tpu.memory_space<vmem>>, %arg21: memref<512x16xf32, #tpu.memory_space<vmem>>, %arg22: memref<512x16xf32, #tpu.memory_space<vmem>>, %arg23: memref<512x16xf32, #tpu.memory_space<vmem>>, %arg24: memref<512x16xf32, #tpu.memory_space<vmem>>, %arg25: memref<!tpu.dma_semaphore, #tpu.memory_space<semaphore_mem>>) attributes {dimension_semantics = [#tpu.dimension_semantics<core_parallel>, #tpu.dimension_semantics<subcore_parallel>], iteration_bounds = array<i64: 2, 16>, scalar_prefetch = 0 : i64, scratch_operands = 18 : i64, tpu.core_type = #tpu.core_type<sc_vector_subcore>, window_params = [{transform_indices = #map}, {transform_indices = #map1}, {transform_indices = #map1}, {transform_indices = #map1}, {transform_indices = #map1}, {transform_indices = #map1}]} {
    %mul3A = arith.constant 2 : i32
    %mul3A_0 = arith.muli %arg1, %mul3A : i32
    %add3A = arith.addi %mul3A_0, %arg0 : i32
    %iota3A = tpu.iota {dimensions = array<i32: 0>} : vector<16xi32>
    %mul3A_1 = arith.constant 8 : i32
    %mul3A_2 = vector.broadcast %mul3A_1 : i32 to vector<16xi32>
    %mul3A_3 = arith.muli %iota3A, %mul3A_2 : vector<16xi32>
    %add3A_4 = arith.constant 0 : i32
    %add3A_5 = vector.broadcast %add3A_4 : i32 to vector<16xi32>
    %add3A_6 = arith.addi %mul3A_3, %add3A_5 : vector<16xi32>
    %mul3A_7 = arith.constant 8 : i32
    %mul3A_8 = vector.broadcast %mul3A_7 : i32 to vector<16xi32>
    %mul3A_9 = arith.muli %iota3A, %mul3A_8 : vector<16xi32>
    %add3A_10 = arith.constant 1 : i32
    %add3A_11 = vector.broadcast %add3A_10 : i32 to vector<16xi32>
    %add3A_12 = arith.addi %mul3A_9, %add3A_11 : vector<16xi32>
    %mul3A_13 = arith.constant 8 : i32
    %mul3A_14 = vector.broadcast %mul3A_13 : i32 to vector<16xi32>
    %mul3A_15 = arith.muli %iota3A, %mul3A_14 : vector<16xi32>
    %add3A_16 = arith.constant 2 : i32
    %add3A_17 = vector.broadcast %add3A_16 : i32 to vector<16xi32>
    %add3A_18 = arith.addi %mul3A_15, %add3A_17 : vector<16xi32>
    %mul3A_19 = arith.constant 8 : i32
    %mul3A_20 = vector.broadcast %mul3A_19 : i32 to vector<16xi32>
    %mul3A_21 = arith.muli %iota3A, %mul3A_20 : vector<16xi32>
    %add3A_22 = arith.constant 3 : i32
    %add3A_23 = vector.broadcast %add3A_22 : i32 to vector<16xi32>
    %add3A_24 = arith.addi %mul3A_21, %add3A_23 : vector<16xi32>
    %mul3A_25 = arith.constant 8 : i32
    %mul3A_26 = vector.broadcast %mul3A_25 : i32 to vector<16xi32>
    %mul3A_27 = arith.muli %iota3A, %mul3A_26 : vector<16xi32>
    %add3A_28 = arith.constant 4 : i32
    %add3A_29 = vector.broadcast %add3A_28 : i32 to vector<16xi32>
    %add3A_30 = arith.addi %mul3A_27, %add3A_29 : vector<16xi32>
    %mul3A_31 = arith.constant 8 : i32
    %mul3A_32 = vector.broadcast %mul3A_31 : i32 to vector<16xi32>
    %mul3A_33 = arith.muli %iota3A, %mul3A_32 : vector<16xi32>
    %add3A_34 = arith.constant 5 : i32
    %add3A_35 = vector.broadcast %add3A_34 : i32 to vector<16xi32>
    %add3A_36 = arith.addi %mul3A_33, %add3A_35 : vector<16xi32>
    %mul3A_37 = arith.constant 8 : i32
    %mul3A_38 = vector.broadcast %mul3A_37 : i32 to vector<16xi32>
    %mul3A_39 = arith.muli %iota3A, %mul3A_38 : vector<16xi32>
    %add3A_40 = arith.constant 6 : i32
    %add3A_41 = vector.broadcast %add3A_40 : i32 to vector<16xi32>
    %add3A_42 = arith.addi %mul3A_39, %add3A_41 : vector<16xi32>
    %mul3A_43 = arith.constant 8 : i32
    %mul3A_44 = vector.broadcast %mul3A_43 : i32 to vector<16xi32>
    %mul3A_45 = arith.muli %iota3A, %mul3A_44 : vector<16xi32>
    %add3A_46 = arith.constant 7 : i32
    %add3A_47 = vector.broadcast %add3A_46 : i32 to vector<16xi32>
    %add3A_48 = arith.addi %mul3A_45, %add3A_47 : vector<16xi32>
    %scan3A = arith.constant 0 : i32
    %scan3A_49 = arith.constant 0 : i32
    %scan3A_50 = arith.constant 16 : i32
    %scan3A_51 = arith.addi %scan3A_49, %scan3A_50 : i32
    %scan3A_52 = arith.constant 1 : i32
    scf.for %scan3A_54 = %scan3A_49 to %scan3A_51 step %scan3A_52  : i32 {
      %mul3A_55 = arith.constant 8192 : i32
      %mul3A_56 = arith.muli %add3A, %mul3A_55 : i32
      %mul3A_57 = arith.constant 512 : i32
      %mul3A_58 = arith.muli %scan3A_54, %mul3A_57 : i32
      %add3A_59 = arith.addi %mul3A_56, %mul3A_58 : i32
      %mul3A_60 = arith.constant 8 : i32
      %mul3A_61 = arith.muli %add3A_59, %mul3A_60 : i32
      "tpu.region"() ({
        %run_scoped3A = tpu.sem_alloc : memref<!tpu.dma_semaphore, #tpu.memory_space<semaphore_mem>>
        %dma_start3A_114 = tpu.memref_slice %arg2[%mul3A_61] : memref<2097152xi32, #tpu.memory_space<hbm>> -> memref<4096xi32, #tpu.memory_space<hbm>>
        %dma_start3A_115 = tpu.memref_slice %arg2[%mul3A_61] : memref<2097152xi32, #tpu.memory_space<hbm>> -> memref<4096xi32, #tpu.memory_space<hbm>>
        tpu.enqueue_dma source(%dma_start3A_115 : memref<4096xi32, #tpu.memory_space<hbm>>) target(%arg8 : memref<4096xi32, #tpu.memory_space<vmem>>) target_semaphore(%run_scoped3A : memref<!tpu.dma_semaphore, #tpu.memory_space<semaphore_mem>>)
        %dma_wait3A_116 = tpu.memref_slice %arg2[%mul3A_61] : memref<2097152xi32, #tpu.memory_space<hbm>> -> memref<4096xi32, #tpu.memory_space<hbm>>
        %dma_wait3A_117 = tpu.memref_slice %arg2[%mul3A_61] : memref<2097152xi32, #tpu.memory_space<hbm>> -> memref<4096xi32, #tpu.memory_space<hbm>>
        tpu.wait_dma2 semaphore(%run_scoped3A : memref<!tpu.dma_semaphore, #tpu.memory_space<semaphore_mem>>) src(%dma_wait3A_117 : memref<4096xi32, #tpu.memory_space<hbm>>) dst(%arg8 : memref<4096xi32, #tpu.memory_space<vmem>>)
        tpu.yield
      }) : () -> ()
      %scan3A_62 = arith.constant 0 : i32
      %scan3A_63 = arith.constant 0 : i32
      %scan3A_64 = arith.constant 32 : i32
      %scan3A_65 = arith.addi %scan3A_63, %scan3A_64 : i32
      %scan3A_66 = arith.constant 2 : i32
      scf.for %scan3A_114 = %scan3A_63 to %scan3A_65 step %scan3A_66  : i32 {
        %mul3A_115 = arith.constant 128 : i32
        %mul3A_116 = arith.muli %scan3A_114, %mul3A_115 : i32
        %add3A_117 = vector.broadcast %mul3A_116 : i32 to vector<16xi32>
        %add3A_118 = arith.addi %add3A_6, %add3A_117 : vector<16xi32>
        %gather3A = tpu.vector_load_idx %arg8[%add3A_118] : memref<4096xi32, #tpu.memory_space<vmem>>[vector<16xi32>], vector<16xi32>,
        %mul3A_119 = arith.constant 16 : i32
        %mul3A_120 = arith.muli %scan3A_114, %mul3A_119 : i32
        %swap3A = arith.index_cast %mul3A_120 : i32 to index
        %swap3A_121 = tpu.vector_load %arg9[%swap3A] {strides = array<i32>} : memref<512xi32, #tpu.memory_space<vmem>>, vector<16xi32>,
        tpu.vector_store %arg9[%swap3A], %gather3A {strides = array<i32>} : memref<512xi32, #tpu.memory_space<vmem>>, vector<16xi32>,
        %add3A_122 = vector.broadcast %mul3A_116 : i32 to vector<16xi32>
        %add3A_123 = arith.addi %add3A_12, %add3A_122 : vector<16xi32>
        %gather3A_124 = tpu.vector_load_idx %arg8[%add3A_123] : memref<4096xi32, #tpu.memory_space<vmem>>[vector<16xi32>], vector<16xi32>,
        %mul3A_125 = arith.constant 16 : i32
        %mul3A_126 = arith.muli %scan3A_114, %mul3A_125 : i32
        %swap3A_127 = arith.index_cast %mul3A_126 : i32 to index
        %swap3A_128 = tpu.vector_load %arg10[%swap3A_127] {strides = array<i32>} : memref<512xi32, #tpu.memory_space<vmem>>, vector<16xi32>,
        tpu.vector_store %arg10[%swap3A_127], %gather3A_124 {strides = array<i32>} : memref<512xi32, #tpu.memory_space<vmem>>, vector<16xi32>,
        %add3A_129 = vector.broadcast %mul3A_116 : i32 to vector<16xi32>
        %add3A_130 = arith.addi %add3A_18, %add3A_129 : vector<16xi32>
        %gather3A_131 = tpu.vector_load_idx %arg8[%add3A_130] : memref<4096xi32, #tpu.memory_space<vmem>>[vector<16xi32>], vector<16xi32>,
        %mul3A_132 = arith.constant 16 : i32
        %mul3A_133 = arith.muli %scan3A_114, %mul3A_132 : i32
        %swap3A_134 = arith.index_cast %mul3A_133 : i32 to index
        %swap3A_135 = tpu.vector_load %arg11[%swap3A_134] {strides = array<i32>} : memref<512xi32, #tpu.memory_space<vmem>>, vector<16xi32>,
        tpu.vector_store %arg11[%swap3A_134], %gather3A_131 {strides = array<i32>} : memref<512xi32, #tpu.memory_space<vmem>>, vector<16xi32>,
        %add3A_136 = vector.broadcast %mul3A_116 : i32 to vector<16xi32>
        %add3A_137 = arith.addi %add3A_24, %add3A_136 : vector<16xi32>
        %gather3A_138 = tpu.vector_load_idx %arg8[%add3A_137] : memref<4096xi32, #tpu.memory_space<vmem>>[vector<16xi32>], vector<16xi32>,
        %mul3A_139 = arith.constant 16 : i32
        %mul3A_140 = arith.muli %scan3A_114, %mul3A_139 : i32
        %swap3A_141 = arith.index_cast %mul3A_140 : i32 to index
        %swap3A_142 = tpu.vector_load %arg12[%swap3A_141] {strides = array<i32>} : memref<512xi32, #tpu.memory_space<vmem>>, vector<16xi32>,
        tpu.vector_store %arg12[%swap3A_141], %gather3A_138 {strides = array<i32>} : memref<512xi32, #tpu.memory_space<vmem>>, vector<16xi32>,
        %add3A_143 = vector.broadcast %mul3A_116 : i32 to vector<16xi32>
        %add3A_144 = arith.addi %add3A_30, %add3A_143 : vector<16xi32>
        %gather3A_145 = tpu.vector_load_idx %arg8[%add3A_144] : memref<4096xi32, #tpu.memory_space<vmem>>[vector<16xi32>], vector<16xi32>,
        %mul3A_146 = arith.constant 16 : i32
        %mul3A_147 = arith.muli %scan3A_114, %mul3A_146 : i32
        %swap3A_148 = arith.index_cast %mul3A_147 : i32 to index
        %swap3A_149 = tpu.vector_load %arg13[%swap3A_148] {strides = array<i32>} : memref<512xi32, #tpu.memory_space<vmem>>, vector<16xi32>,
        tpu.vector_store %arg13[%swap3A_148], %gather3A_145 {strides = array<i32>} : memref<512xi32, #tpu.memory_space<vmem>>, vector<16xi32>,
        %add3A_150 = vector.broadcast %mul3A_116 : i32 to vector<16xi32>
        %add3A_151 = arith.addi %add3A_36, %add3A_150 : vector<16xi32>
        %gather3A_152 = tpu.vector_load_idx %arg8[%add3A_151] : memref<4096xi32, #tpu.memory_space<vmem>>[vector<16xi32>], vector<16xi32>,
        %mul3A_153 = arith.constant 16 : i32
        %mul3A_154 = arith.muli %scan3A_114, %mul3A_153 : i32
        %swap3A_155 = arith.index_cast %mul3A_154 : i32 to index
        %swap3A_156 = tpu.vector_load %arg14[%swap3A_155] {strides = array<i32>} : memref<512xi32, #tpu.memory_space<vmem>>, vector<16xi32>,
        tpu.vector_store %arg14[%swap3A_155], %gather3A_152 {strides = array<i32>} : memref<512xi32, #tpu.memory_space<vmem>>, vector<16xi32>,
        %add3A_157 = vector.broadcast %mul3A_116 : i32 to vector<16xi32>
        %add3A_158 = arith.addi %add3A_42, %add3A_157 : vector<16xi32>
        %gather3A_159 = tpu.vector_load_idx %arg8[%add3A_158] : memref<4096xi32, #tpu.memory_space<vmem>>[vector<16xi32>], vector<16xi32>,
        %mul3A_160 = arith.constant 16 : i32
        %mul3A_161 = arith.muli %scan3A_114, %mul3A_160 : i32
        %swap3A_162 = arith.index_cast %mul3A_161 : i32 to index
        %swap3A_163 = tpu.vector_load %arg15[%swap3A_162] {strides = array<i32>} : memref<512xi32, #tpu.memory_space<vmem>>, vector<16xi32>,
        tpu.vector_store %arg15[%swap3A_162], %gather3A_159 {strides = array<i32>} : memref<512xi32, #tpu.memory_space<vmem>>, vector<16xi32>,
        %add3A_164 = vector.broadcast %mul3A_116 : i32 to vector<16xi32>
        %add3A_165 = arith.addi %add3A_48, %add3A_164 : vector<16xi32>
        %gather3A_166 = tpu.vector_load_idx %arg8[%add3A_165] : memref<4096xi32, #tpu.memory_space<vmem>>[vector<16xi32>], vector<16xi32>,
        %mul3A_167 = arith.constant 16 : i32
        %mul3A_168 = arith.muli %scan3A_114, %mul3A_167 : i32
        %swap3A_169 = arith.index_cast %mul3A_168 : i32 to index
        %swap3A_170 = tpu.vector_load %arg16[%swap3A_169] {strides = array<i32>} : memref<512xi32, #tpu.memory_space<vmem>>, vector<16xi32>,
        tpu.vector_store %arg16[%swap3A_169], %gather3A_166 {strides = array<i32>} : memref<512xi32, #tpu.memory_space<vmem>>, vector<16xi32>,
        %scan3A_171 = arith.constant 1 : i32
        %scan3A_172 = arith.addi %scan3A_114, %scan3A_171 : i32
        %mul3A_173 = arith.constant 128 : i32
        %mul3A_174 = arith.muli %scan3A_172, %mul3A_173 : i32
        %add3A_175 = vector.broadcast %mul3A_174 : i32 to vector<16xi32>
        %add3A_176 = arith.addi %add3A_6, %add3A_175 : vector<16xi32>
        %gather3A_177 = tpu.vector_load_idx %arg8[%add3A_176] : memref<4096xi32, #tpu.memory_space<vmem>>[vector<16xi32>], vector<16xi32>,
        %mul3A_178 = arith.constant 16 : i32
        %mul3A_179 = arith.muli %scan3A_172, %mul3A_178 : i32
        %swap3A_180 = arith.index_cast %mul3A_179 : i32 to index
        %swap3A_181 = tpu.vector_load %arg9[%swap3A_180] {strides = array<i32>} : memref<512xi32, #tpu.memory_space<vmem>>, vector<16xi32>,
        tpu.vector_store %arg9[%swap3A_180], %gather3A_177 {strides = array<i32>} : memref<512xi32, #tpu.memory_space<vmem>>, vector<16xi32>,
        %add3A_182 = vector.broadcast %mul3A_174 : i32 to vector<16xi32>
        %add3A_183 = arith.addi %add3A_12, %add3A_182 : vector<16xi32>
        %gather3A_184 = tpu.vector_load_idx %arg8[%add3A_183] : memref<4096xi32, #tpu.memory_space<vmem>>[vector<16xi32>], vector<16xi32>,
        %mul3A_185 = arith.constant 16 : i32
        %mul3A_186 = arith.muli %scan3A_172, %mul3A_185 : i32
        %swap3A_187 = arith.index_cast %mul3A_186 : i32 to index
        %swap3A_188 = tpu.vector_load %arg10[%swap3A_187] {strides = array<i32>} : memref<512xi32, #tpu.memory_space<vmem>>, vector<16xi32>,
        tpu.vector_store %arg10[%swap3A_187], %gather3A_184 {strides = array<i32>} : memref<512xi32, #tpu.memory_space<vmem>>, vector<16xi32>,
        %add3A_189 = vector.broadcast %mul3A_174 : i32 to vector<16xi32>
        %add3A_190 = arith.addi %add3A_18, %add3A_189 : vector<16xi32>
        %gather3A_191 = tpu.vector_load_idx %arg8[%add3A_190] : memref<4096xi32, #tpu.memory_space<vmem>>[vector<16xi32>], vector<16xi32>,
        %mul3A_192 = arith.constant 16 : i32
        %mul3A_193 = arith.muli %scan3A_172, %mul3A_192 : i32
        %swap3A_194 = arith.index_cast %mul3A_193 : i32 to index
        %swap3A_195 = tpu.vector_load %arg11[%swap3A_194] {strides = array<i32>} : memref<512xi32, #tpu.memory_space<vmem>>, vector<16xi32>,
        tpu.vector_store %arg11[%swap3A_194], %gather3A_191 {strides = array<i32>} : memref<512xi32, #tpu.memory_space<vmem>>, vector<16xi32>,
        %add3A_196 = vector.broadcast %mul3A_174 : i32 to vector<16xi32>
        %add3A_197 = arith.addi %add3A_24, %add3A_196 : vector<16xi32>
        %gather3A_198 = tpu.vector_load_idx %arg8[%add3A_197] : memref<4096xi32, #tpu.memory_space<vmem>>[vector<16xi32>], vector<16xi32>,
        %mul3A_199 = arith.constant 16 : i32
        %mul3A_200 = arith.muli %scan3A_172, %mul3A_199 : i32
        %swap3A_201 = arith.index_cast %mul3A_200 : i32 to index
        %swap3A_202 = tpu.vector_load %arg12[%swap3A_201] {strides = array<i32>} : memref<512xi32, #tpu.memory_space<vmem>>, vector<16xi32>,
        tpu.vector_store %arg12[%swap3A_201], %gather3A_198 {strides = array<i32>} : memref<512xi32, #tpu.memory_space<vmem>>, vector<16xi32>,
        %add3A_203 = vector.broadcast %mul3A_174 : i32 to vector<16xi32>
        %add3A_204 = arith.addi %add3A_30, %add3A_203 : vector<16xi32>
        %gather3A_205 = tpu.vector_load_idx %arg8[%add3A_204] : memref<4096xi32, #tpu.memory_space<vmem>>[vector<16xi32>], vector<16xi32>,
        %mul3A_206 = arith.constant 16 : i32
        %mul3A_207 = arith.muli %scan3A_172, %mul3A_206 : i32
        %swap3A_208 = arith.index_cast %mul3A_207 : i32 to index
        %swap3A_209 = tpu.vector_load %arg13[%swap3A_208] {strides = array<i32>} : memref<512xi32, #tpu.memory_space<vmem>>, vector<16xi32>,
        tpu.vector_store %arg13[%swap3A_208], %gather3A_205 {strides = array<i32>} : memref<512xi32, #tpu.memory_space<vmem>>, vector<16xi32>,
        %add3A_210 = vector.broadcast %mul3A_174 : i32 to vector<16xi32>
        %add3A_211 = arith.addi %add3A_36, %add3A_210 : vector<16xi32>
        %gather3A_212 = tpu.vector_load_idx %arg8[%add3A_211] : memref<4096xi32, #tpu.memory_space<vmem>>[vector<16xi32>], vector<16xi32>,
        %mul3A_213 = arith.constant 16 : i32
        %mul3A_214 = arith.muli %scan3A_172, %mul3A_213 : i32
        %swap3A_215 = arith.index_cast %mul3A_214 : i32 to index
        %swap3A_216 = tpu.vector_load %arg14[%swap3A_215] {strides = array<i32>} : memref<512xi32, #tpu.memory_space<vmem>>, vector<16xi32>,
        tpu.vector_store %arg14[%swap3A_215], %gather3A_212 {strides = array<i32>} : memref<512xi32, #tpu.memory_space<vmem>>, vector<16xi32>,
        %add3A_217 = vector.broadcast %mul3A_174 : i32 to vector<16xi32>
        %add3A_218 = arith.addi %add3A_42, %add3A_217 : vector<16xi32>
        %gather3A_219 = tpu.vector_load_idx %arg8[%add3A_218] : memref<4096xi32, #tpu.memory_space<vmem>>[vector<16xi32>], vector<16xi32>,
        %mul3A_220 = arith.constant 16 : i32
        %mul3A_221 = arith.muli %scan3A_172, %mul3A_220 : i32
        %swap3A_222 = arith.index_cast %mul3A_221 : i32 to index
        %swap3A_223 = tpu.vector_load %arg15[%swap3A_222] {strides = array<i32>} : memref<512xi32, #tpu.memory_space<vmem>>, vector<16xi32>,
        tpu.vector_store %arg15[%swap3A_222], %gather3A_219 {strides = array<i32>} : memref<512xi32, #tpu.memory_space<vmem>>, vector<16xi32>,
        %add3A_224 = vector.broadcast %mul3A_174 : i32 to vector<16xi32>
        %add3A_225 = arith.addi %add3A_48, %add3A_224 : vector<16xi32>
        %gather3A_226 = tpu.vector_load_idx %arg8[%add3A_225] : memref<4096xi32, #tpu.memory_space<vmem>>[vector<16xi32>], vector<16xi32>,
        %mul3A_227 = arith.constant 16 : i32
        %mul3A_228 = arith.muli %scan3A_172, %mul3A_227 : i32
        %swap3A_229 = arith.index_cast %mul3A_228 : i32 to index
        %swap3A_230 = tpu.vector_load %arg16[%swap3A_229] {strides = array<i32>} : memref<512xi32, #tpu.memory_space<vmem>>, vector<16xi32>,
        tpu.vector_store %arg16[%swap3A_229], %gather3A_226 {strides = array<i32>} : memref<512xi32, #tpu.memory_space<vmem>>, vector<16xi32>,
      }
      %scan3A_67 = arith.constant 32 : i32
      %dma_start3A = arith.constant 0 : i32
      %dma_start3A_68 = arith.constant 0 : i32
      %dma_start3A_69 = tpu.memref_slice %arg3[%dma_start3A, %dma_start3A_68] : memref<100000x32xf32, #tpu.memory_space<hbm>> -> memref<100000x32xf32, #tpu.memory_space<hbm>>
      tpu.enqueue_indirect_dma source(%dma_start3A_69 : memref<100000x32xf32, #tpu.memory_space<hbm>>) target(%arg17 : memref<512x32xf32, #tpu.memory_space<vmem>>) offsets(%arg9 : memref<512xi32, #tpu.memory_space<vmem>>) semaphore(%arg25 : memref<!tpu.dma_semaphore, #tpu.memory_space<semaphore_mem>>)
      %dma_start3A_70 = arith.constant 0 : i32
      %dma_start3A_71 = arith.constant 0 : i32
      %dma_start3A_72 = tpu.memref_slice %arg4[%dma_start3A_70, %dma_start3A_71] : memref<100000x32xf32, #tpu.memory_space<hbm>> -> memref<100000x32xf32, #tpu.memory_space<hbm>>
      tpu.enqueue_indirect_dma source(%dma_start3A_72 : memref<100000x32xf32, #tpu.memory_space<hbm>>) target(%arg18 : memref<512x32xf32, #tpu.memory_space<vmem>>) offsets(%arg10 : memref<512xi32, #tpu.memory_space<vmem>>) semaphore(%arg25 : memref<!tpu.dma_semaphore, #tpu.memory_space<semaphore_mem>>)
      %dma_start3A_73 = arith.constant 0 : i32
      %dma_start3A_74 = arith.constant 0 : i32
      %dma_start3A_75 = tpu.memref_slice %arg5[%dma_start3A_73, %dma_start3A_74] : memref<1000x16xf32, #tpu.memory_space<hbm>> -> memref<1000x16xf32, #tpu.memory_space<hbm>>
      tpu.enqueue_indirect_dma source(%dma_start3A_75 : memref<1000x16xf32, #tpu.memory_space<hbm>>) target(%arg19 : memref<512x16xf32, #tpu.memory_space<vmem>>) offsets(%arg11 : memref<512xi32, #tpu.memory_space<vmem>>) semaphore(%arg25 : memref<!tpu.dma_semaphore, #tpu.memory_space<semaphore_mem>>)
      %dma_start3A_76 = arith.constant 0 : i32
      %dma_start3A_77 = arith.constant 0 : i32
      %dma_start3A_78 = tpu.memref_slice %arg6[%dma_start3A_76, %dma_start3A_77] : memref<1000x16xf32, #tpu.memory_space<hbm>> -> memref<1000x16xf32, #tpu.memory_space<hbm>>
      tpu.enqueue_indirect_dma source(%dma_start3A_78 : memref<1000x16xf32, #tpu.memory_space<hbm>>) target(%arg20 : memref<512x16xf32, #tpu.memory_space<vmem>>) offsets(%arg12 : memref<512xi32, #tpu.memory_space<vmem>>) semaphore(%arg25 : memref<!tpu.dma_semaphore, #tpu.memory_space<semaphore_mem>>)
      %dma_start3A_79 = arith.constant 0 : i32
      %dma_start3A_80 = arith.constant 0 : i32
      %dma_start3A_81 = tpu.memref_slice %arg6[%dma_start3A_79, %dma_start3A_80] : memref<1000x16xf32, #tpu.memory_space<hbm>> -> memref<1000x16xf32, #tpu.memory_space<hbm>>
      tpu.enqueue_indirect_dma source(%dma_start3A_81 : memref<1000x16xf32, #tpu.memory_space<hbm>>) target(%arg21 : memref<512x16xf32, #tpu.memory_space<vmem>>) offsets(%arg13 : memref<512xi32, #tpu.memory_space<vmem>>) semaphore(%arg25 : memref<!tpu.dma_semaphore, #tpu.memory_space<semaphore_mem>>)
      %dma_start3A_82 = arith.constant 0 : i32
      %dma_start3A_83 = arith.constant 0 : i32
      %dma_start3A_84 = tpu.memref_slice %arg6[%dma_start3A_82, %dma_start3A_83] : memref<1000x16xf32, #tpu.memory_space<hbm>> -> memref<1000x16xf32, #tpu.memory_space<hbm>>
      tpu.enqueue_indirect_dma source(%dma_start3A_84 : memref<1000x16xf32, #tpu.memory_space<hbm>>) target(%arg22 : memref<512x16xf32, #tpu.memory_space<vmem>>) offsets(%arg14 : memref<512xi32, #tpu.memory_space<vmem>>) semaphore(%arg25 : memref<!tpu.dma_semaphore, #tpu.memory_space<semaphore_mem>>)
      %dma_start3A_85 = arith.constant 0 : i32
      %dma_start3A_86 = arith.constant 0 : i32
      %dma_start3A_87 = tpu.memref_slice %arg6[%dma_start3A_85, %dma_start3A_86] : memref<1000x16xf32, #tpu.memory_space<hbm>> -> memref<1000x16xf32, #tpu.memory_space<hbm>>
      tpu.enqueue_indirect_dma source(%dma_start3A_87 : memref<1000x16xf32, #tpu.memory_space<hbm>>) target(%arg23 : memref<512x16xf32, #tpu.memory_space<vmem>>) offsets(%arg15 : memref<512xi32, #tpu.memory_space<vmem>>) semaphore(%arg25 : memref<!tpu.dma_semaphore, #tpu.memory_space<semaphore_mem>>)
      %dma_start3A_88 = arith.constant 0 : i32
      %dma_start3A_89 = arith.constant 0 : i32
      %dma_start3A_90 = tpu.memref_slice %arg6[%dma_start3A_88, %dma_start3A_89] : memref<1000x16xf32, #tpu.memory_space<hbm>> -> memref<1000x16xf32, #tpu.memory_space<hbm>>
      tpu.enqueue_indirect_dma source(%dma_start3A_90 : memref<1000x16xf32, #tpu.memory_space<hbm>>) target(%arg24 : memref<512x16xf32, #tpu.memory_space<vmem>>) offsets(%arg16 : memref<512xi32, #tpu.memory_space<vmem>>) semaphore(%arg25 : memref<!tpu.dma_semaphore, #tpu.memory_space<semaphore_mem>>)
      %dma_wait3A = arith.constant 0 : i32
      %dma_wait3A_91 = arith.constant 0 : i32
      %dma_wait3A_92 = tpu.memref_slice %arg3[%dma_wait3A, %dma_wait3A_91] : memref<100000x32xf32, #tpu.memory_space<hbm>> -> memref<100000x32xf32, #tpu.memory_space<hbm>>
      tpu.wait_indirect_dma semaphore(%arg25 : memref<!tpu.dma_semaphore, #tpu.memory_space<semaphore_mem>>) src(%dma_wait3A_92 : memref<100000x32xf32, #tpu.memory_space<hbm>>) dst(%arg17 : memref<512x32xf32, #tpu.memory_space<vmem>>)
      %dma_wait3A_93 = arith.constant 0 : i32
      %dma_wait3A_94 = arith.constant 0 : i32
      %dma_wait3A_95 = tpu.memref_slice %arg4[%dma_wait3A_93, %dma_wait3A_94] : memref<100000x32xf32, #tpu.memory_space<hbm>> -> memref<100000x32xf32, #tpu.memory_space<hbm>>
      tpu.wait_indirect_dma semaphore(%arg25 : memref<!tpu.dma_semaphore, #tpu.memory_space<semaphore_mem>>) src(%dma_wait3A_95 : memref<100000x32xf32, #tpu.memory_space<hbm>>) dst(%arg18 : memref<512x32xf32, #tpu.memory_space<vmem>>)
      %dma_wait3A_96 = arith.constant 0 : i32
      %dma_wait3A_97 = arith.constant 0 : i32
      %dma_wait3A_98 = tpu.memref_slice %arg5[%dma_wait3A_96, %dma_wait3A_97] : memref<1000x16xf32, #tpu.memory_space<hbm>> -> memref<1000x16xf32, #tpu.memory_space<hbm>>
      tpu.wait_indirect_dma semaphore(%arg25 : memref<!tpu.dma_semaphore, #tpu.memory_space<semaphore_mem>>) src(%dma_wait3A_98 : memref<1000x16xf32, #tpu.memory_space<hbm>>) dst(%arg19 : memref<512x16xf32, #tpu.memory_space<vmem>>)
      %dma_wait3A_99 = arith.constant 0 : i32
      %dma_wait3A_100 = arith.constant 0 : i32
      %dma_wait3A_101 = tpu.memref_slice %arg6[%dma_wait3A_99, %dma_wait3A_100] : memref<1000x16xf32, #tpu.memory_space<hbm>> -> memref<1000x16xf32, #tpu.memory_space<hbm>>
      tpu.wait_indirect_dma semaphore(%arg25 : memref<!tpu.dma_semaphore, #tpu.memory_space<semaphore_mem>>) src(%dma_wait3A_101 : memref<1000x16xf32, #tpu.memory_space<hbm>>) dst(%arg20 : memref<512x16xf32, #tpu.memory_space<vmem>>)
      %dma_wait3A_102 = arith.constant 0 : i32
      %dma_wait3A_103 = arith.constant 0 : i32
      %dma_wait3A_104 = tpu.memref_slice %arg6[%dma_wait3A_102, %dma_wait3A_103] : memref<1000x16xf32, #tpu.memory_space<hbm>> -> memref<1000x16xf32, #tpu.memory_space<hbm>>
      tpu.wait_indirect_dma semaphore(%arg25 : memref<!tpu.dma_semaphore, #tpu.memory_space<semaphore_mem>>) src(%dma_wait3A_104 : memref<1000x16xf32, #tpu.memory_space<hbm>>) dst(%arg21 : memref<512x16xf32, #tpu.memory_space<vmem>>)
      %dma_wait3A_105 = arith.constant 0 : i32
      %dma_wait3A_106 = arith.constant 0 : i32
      %dma_wait3A_107 = tpu.memref_slice %arg6[%dma_wait3A_105, %dma_wait3A_106] : memref<1000x16xf32, #tpu.memory_space<hbm>> -> memref<1000x16xf32, #tpu.memory_space<hbm>>
      tpu.wait_indirect_dma semaphore(%arg25 : memref<!tpu.dma_semaphore, #tpu.memory_space<semaphore_mem>>) src(%dma_wait3A_107 : memref<1000x16xf32, #tpu.memory_space<hbm>>) dst(%arg22 : memref<512x16xf32, #tpu.memory_space<vmem>>)
      %dma_wait3A_108 = arith.constant 0 : i32
      %dma_wait3A_109 = arith.constant 0 : i32
      %dma_wait3A_110 = tpu.memref_slice %arg6[%dma_wait3A_108, %dma_wait3A_109] : memref<1000x16xf32, #tpu.memory_space<hbm>> -> memref<1000x16xf32, #tpu.memory_space<hbm>>
      tpu.wait_indirect_dma semaphore(%arg25 : memref<!tpu.dma_semaphore, #tpu.memory_space<semaphore_mem>>) src(%dma_wait3A_110 : memref<1000x16xf32, #tpu.memory_space<hbm>>) dst(%arg23 : memref<512x16xf32, #tpu.memory_space<vmem>>)
      %dma_wait3A_111 = arith.constant 0 : i32
      %dma_wait3A_112 = arith.constant 0 : i32
      %dma_wait3A_113 = tpu.memref_slice %arg6[%dma_wait3A_111, %dma_wait3A_112] : memref<1000x16xf32, #tpu.memory_space<hbm>> -> memref<1000x16xf32, #tpu.memory_space<hbm>>
      tpu.wait_indirect_dma semaphore(%arg25 : memref<!tpu.dma_semaphore, #tpu.memory_space<semaphore_mem>>) src(%dma_wait3A_113 : memref<1000x16xf32, #tpu.memory_space<hbm>>) dst(%arg24 : memref<512x16xf32, #tpu.memory_space<vmem>>)
      "tpu.region"() ({
        %run_scoped3A = tpu.sem_alloc : memref<!tpu.dma_semaphore, #tpu.memory_space<semaphore_mem>>
        %dma_start3A_114 = arith.constant 0 : i32
        %dma_start3A_115 = tpu.memref_slice %arg7[%add3A_59, %dma_start3A_114] : memref<262144x160xf32, #tpu.memory_space<hbm>> -> memref<512x32xf32, #tpu.memory_space<hbm>>
        %dma_start3A_116 = arith.constant 0 : i32
        %dma_start3A_117 = tpu.memref_slice %arg7[%add3A_59, %dma_start3A_116] : memref<262144x160xf32, #tpu.memory_space<hbm>> -> memref<512x32xf32, #tpu.memory_space<hbm>>
        tpu.enqueue_dma source(%arg17 : memref<512x32xf32, #tpu.memory_space<vmem>>) target(%dma_start3A_117 : memref<512x32xf32, #tpu.memory_space<hbm>>) target_semaphore(%run_scoped3A : memref<!tpu.dma_semaphore, #tpu.memory_space<semaphore_mem>>)
        %dma_wait3A_118 = arith.constant 0 : i32
        %dma_wait3A_119 = tpu.memref_slice %arg7[%add3A_59, %dma_wait3A_118] : memref<262144x160xf32, #tpu.memory_space<hbm>> -> memref<512x32xf32, #tpu.memory_space<hbm>>
        %dma_wait3A_120 = arith.constant 0 : i32
        %dma_wait3A_121 = tpu.memref_slice %arg7[%add3A_59, %dma_wait3A_120] : memref<262144x160xf32, #tpu.memory_space<hbm>> -> memref<512x32xf32, #tpu.memory_space<hbm>>
        tpu.wait_dma2 semaphore(%run_scoped3A : memref<!tpu.dma_semaphore, #tpu.memory_space<semaphore_mem>>) src(%arg17 : memref<512x32xf32, #tpu.memory_space<vmem>>) dst(%dma_wait3A_121 : memref<512x32xf32, #tpu.memory_space<hbm>>)
        tpu.yield
      }) : () -> ()
      "tpu.region"() ({
        %run_scoped3A = tpu.sem_alloc : memref<!tpu.dma_semaphore, #tpu.memory_space<semaphore_mem>>
        %dma_start3A_114 = arith.constant 32 : i32
        %dma_start3A_115 = tpu.memref_slice %arg7[%add3A_59, %dma_start3A_114] : memref<262144x160xf32, #tpu.memory_space<hbm>> -> memref<512x32xf32, #tpu.memory_space<hbm>>
        %dma_start3A_116 = arith.constant 32 : i32
        %dma_start3A_117 = tpu.memref_slice %arg7[%add3A_59, %dma_start3A_116] : memref<262144x160xf32, #tpu.memory_space<hbm>> -> memref<512x32xf32, #tpu.memory_space<hbm>>
        tpu.enqueue_dma source(%arg18 : memref<512x32xf32, #tpu.memory_space<vmem>>) target(%dma_start3A_117 : memref<512x32xf32, #tpu.memory_space<hbm>>) target_semaphore(%run_scoped3A : memref<!tpu.dma_semaphore, #tpu.memory_space<semaphore_mem>>)
        %dma_wait3A_118 = arith.constant 32 : i32
        %dma_wait3A_119 = tpu.memref_slice %arg7[%add3A_59, %dma_wait3A_118] : memref<262144x160xf32, #tpu.memory_space<hbm>> -> memref<512x32xf32, #tpu.memory_space<hbm>>
        %dma_wait3A_120 = arith.constant 32 : i32
        %dma_wait3A_121 = tpu.memref_slice %arg7[%add3A_59, %dma_wait3A_120] : memref<262144x160xf32, #tpu.memory_space<hbm>> -> memref<512x32xf32, #tpu.memory_space<hbm>>
        tpu.wait_dma2 semaphore(%run_scoped3A : memref<!tpu.dma_semaphore, #tpu.memory_space<semaphore_mem>>) src(%arg18 : memref<512x32xf32, #tpu.memory_space<vmem>>) dst(%dma_wait3A_121 : memref<512x32xf32, #tpu.memory_space<hbm>>)
        tpu.yield
      }) : () -> ()
      "tpu.region"() ({
        %run_scoped3A = tpu.sem_alloc : memref<!tpu.dma_semaphore, #tpu.memory_space<semaphore_mem>>
        %dma_start3A_114 = arith.constant 64 : i32
        %dma_start3A_115 = tpu.memref_slice %arg7[%add3A_59, %dma_start3A_114] : memref<262144x160xf32, #tpu.memory_space<hbm>> -> memref<512x16xf32, #tpu.memory_space<hbm>>
        %dma_start3A_116 = arith.constant 64 : i32
        %dma_start3A_117 = tpu.memref_slice %arg7[%add3A_59, %dma_start3A_116] : memref<262144x160xf32, #tpu.memory_space<hbm>> -> memref<512x16xf32, #tpu.memory_space<hbm>>
        tpu.enqueue_dma source(%arg19 : memref<512x16xf32, #tpu.memory_space<vmem>>) target(%dma_start3A_117 : memref<512x16xf32, #tpu.memory_space<hbm>>) target_semaphore(%run_scoped3A : memref<!tpu.dma_semaphore, #tpu.memory_space<semaphore_mem>>)
        %dma_wait3A_118 = arith.constant 64 : i32
        %dma_wait3A_119 = tpu.memref_slice %arg7[%add3A_59, %dma_wait3A_118] : memref<262144x160xf32, #tpu.memory_space<hbm>> -> memref<512x16xf32, #tpu.memory_space<hbm>>
        %dma_wait3A_120 = arith.constant 64 : i32
        %dma_wait3A_121 = tpu.memref_slice %arg7[%add3A_59, %dma_wait3A_120] : memref<262144x160xf32, #tpu.memory_space<hbm>> -> memref<512x16xf32, #tpu.memory_space<hbm>>
        tpu.wait_dma2 semaphore(%run_scoped3A : memref<!tpu.dma_semaphore, #tpu.memory_space<semaphore_mem>>) src(%arg19 : memref<512x16xf32, #tpu.memory_space<vmem>>) dst(%dma_wait3A_121 : memref<512x16xf32, #tpu.memory_space<hbm>>)
        tpu.yield
      }) : () -> ()
      "tpu.region"() ({
        %run_scoped3A = tpu.sem_alloc : memref<!tpu.dma_semaphore, #tpu.memory_space<semaphore_mem>>
        %dma_start3A_114 = arith.constant 80 : i32
        %dma_start3A_115 = tpu.memref_slice %arg7[%add3A_59, %dma_start3A_114] : memref<262144x160xf32, #tpu.memory_space<hbm>> -> memref<512x16xf32, #tpu.memory_space<hbm>>
        %dma_start3A_116 = arith.constant 80 : i32
        %dma_start3A_117 = tpu.memref_slice %arg7[%add3A_59, %dma_start3A_116] : memref<262144x160xf32, #tpu.memory_space<hbm>> -> memref<512x16xf32, #tpu.memory_space<hbm>>
        tpu.enqueue_dma source(%arg20 : memref<512x16xf32, #tpu.memory_space<vmem>>) target(%dma_start3A_117 : memref<512x16xf32, #tpu.memory_space<hbm>>) target_semaphore(%run_scoped3A : memref<!tpu.dma_semaphore, #tpu.memory_space<semaphore_mem>>)
        %dma_wait3A_118 = arith.constant 80 : i32
        %dma_wait3A_119 = tpu.memref_slice %arg7[%add3A_59, %dma_wait3A_118] : memref<262144x160xf32, #tpu.memory_space<hbm>> -> memref<512x16xf32, #tpu.memory_space<hbm>>
        %dma_wait3A_120 = arith.constant 80 : i32
        %dma_wait3A_121 = tpu.memref_slice %arg7[%add3A_59, %dma_wait3A_120] : memref<262144x160xf32, #tpu.memory_space<hbm>> -> memref<512x16xf32, #tpu.memory_space<hbm>>
        tpu.wait_dma2 semaphore(%run_scoped3A : memref<!tpu.dma_semaphore, #tpu.memory_space<semaphore_mem>>) src(%arg20 : memref<512x16xf32, #tpu.memory_space<vmem>>) dst(%dma_wait3A_121 : memref<512x16xf32, #tpu.memory_space<hbm>>)
        tpu.yield
      }) : () -> ()
      "tpu.region"() ({
        %run_scoped3A = tpu.sem_alloc : memref<!tpu.dma_semaphore, #tpu.memory_space<semaphore_mem>>
        %dma_start3A_114 = arith.constant 96 : i32
        %dma_start3A_115 = tpu.memref_slice %arg7[%add3A_59, %dma_start3A_114] : memref<262144x160xf32, #tpu.memory_space<hbm>> -> memref<512x16xf32, #tpu.memory_space<hbm>>
        %dma_start3A_116 = arith.constant 96 : i32
        %dma_start3A_117 = tpu.memref_slice %arg7[%add3A_59, %dma_start3A_116] : memref<262144x160xf32, #tpu.memory_space<hbm>> -> memref<512x16xf32, #tpu.memory_space<hbm>>
        tpu.enqueue_dma source(%arg21 : memref<512x16xf32, #tpu.memory_space<vmem>>) target(%dma_start3A_117 : memref<512x16xf32, #tpu.memory_space<hbm>>) target_semaphore(%run_scoped3A : memref<!tpu.dma_semaphore, #tpu.memory_space<semaphore_mem>>)
        %dma_wait3A_118 = arith.constant 96 : i32
        %dma_wait3A_119 = tpu.memref_slice %arg7[%add3A_59, %dma_wait3A_118] : memref<262144x160xf32, #tpu.memory_space<hbm>> -> memref<512x16xf32, #tpu.memory_space<hbm>>
        %dma_wait3A_120 = arith.constant 96 : i32
        %dma_wait3A_121 = tpu.memref_slice %arg7[%add3A_59, %dma_wait3A_120] : memref<262144x160xf32, #tpu.memory_space<hbm>> -> memref<512x16xf32, #tpu.memory_space<hbm>>
        tpu.wait_dma2 semaphore(%run_scoped3A : memref<!tpu.dma_semaphore, #tpu.memory_space<semaphore_mem>>) src(%arg21 : memref<512x16xf32, #tpu.memory_space<vmem>>) dst(%dma_wait3A_121 : memref<512x16xf32, #tpu.memory_space<hbm>>)
        tpu.yield
      }) : () -> ()
      "tpu.region"() ({
        %run_scoped3A = tpu.sem_alloc : memref<!tpu.dma_semaphore, #tpu.memory_space<semaphore_mem>>
        %dma_start3A_114 = arith.constant 112 : i32
        %dma_start3A_115 = tpu.memref_slice %arg7[%add3A_59, %dma_start3A_114] : memref<262144x160xf32, #tpu.memory_space<hbm>> -> memref<512x16xf32, #tpu.memory_space<hbm>>
        %dma_start3A_116 = arith.constant 112 : i32
        %dma_start3A_117 = tpu.memref_slice %arg7[%add3A_59, %dma_start3A_116] : memref<262144x160xf32, #tpu.memory_space<hbm>> -> memref<512x16xf32, #tpu.memory_space<hbm>>
        tpu.enqueue_dma source(%arg22 : memref<512x16xf32, #tpu.memory_space<vmem>>) target(%dma_start3A_117 : memref<512x16xf32, #tpu.memory_space<hbm>>) target_semaphore(%run_scoped3A : memref<!tpu.dma_semaphore, #tpu.memory_space<semaphore_mem>>)
        %dma_wait3A_118 = arith.constant 112 : i32
        %dma_wait3A_119 = tpu.memref_slice %arg7[%add3A_59, %dma_wait3A_118] : memref<262144x160xf32, #tpu.memory_space<hbm>> -> memref<512x16xf32, #tpu.memory_space<hbm>>
        %dma_wait3A_120 = arith.constant 112 : i32
        %dma_wait3A_121 = tpu.memref_slice %arg7[%add3A_59, %dma_wait3A_120] : memref<262144x160xf32, #tpu.memory_space<hbm>> -> memref<512x16xf32, #tpu.memory_space<hbm>>
        tpu.wait_dma2 semaphore(%run_scoped3A : memref<!tpu.dma_semaphore, #tpu.memory_space<semaphore_mem>>) src(%arg22 : memref<512x16xf32, #tpu.memory_space<vmem>>) dst(%dma_wait3A_121 : memref<512x16xf32, #tpu.memory_space<hbm>>)
        tpu.yield
      }) : () -> ()
      "tpu.region"() ({
        %run_scoped3A = tpu.sem_alloc : memref<!tpu.dma_semaphore, #tpu.memory_space<semaphore_mem>>
        %dma_start3A_114 = arith.constant 128 : i32
        %dma_start3A_115 = tpu.memref_slice %arg7[%add3A_59, %dma_start3A_114] : memref<262144x160xf32, #tpu.memory_space<hbm>> -> memref<512x16xf32, #tpu.memory_space<hbm>>
        %dma_start3A_116 = arith.constant 128 : i32
        %dma_start3A_117 = tpu.memref_slice %arg7[%add3A_59, %dma_start3A_116] : memref<262144x160xf32, #tpu.memory_space<hbm>> -> memref<512x16xf32, #tpu.memory_space<hbm>>
        tpu.enqueue_dma source(%arg23 : memref<512x16xf32, #tpu.memory_space<vmem>>) target(%dma_start3A_117 : memref<512x16xf32, #tpu.memory_space<hbm>>) target_semaphore(%run_scoped3A : memref<!tpu.dma_semaphore, #tpu.memory_space<semaphore_mem>>)
        %dma_wait3A_118 = arith.constant 128 : i32
        %dma_wait3A_119 = tpu.memref_slice %arg7[%add3A_59, %dma_wait3A_118] : memref<262144x160xf32, #tpu.memory_space<hbm>> -> memref<512x16xf32, #tpu.memory_space<hbm>>
        %dma_wait3A_120 = arith.constant 128 : i32
        %dma_wait3A_121 = tpu.memref_slice %arg7[%add3A_59, %dma_wait3A_120] : memref<262144x160xf32, #tpu.memory_space<hbm>> -> memref<512x16xf32, #tpu.memory_space<hbm>>
        tpu.wait_dma2 semaphore(%run_scoped3A : memref<!tpu.dma_semaphore, #tpu.memory_space<semaphore_mem>>) src(%arg23 : memref<512x16xf32, #tpu.memory_space<vmem>>) dst(%dma_wait3A_121 : memref<512x16xf32, #tpu.memory_space<hbm>>)
        tpu.yield
      }) : () -> ()
      "tpu.region"() ({
        %run_scoped3A = tpu.sem_alloc : memref<!tpu.dma_semaphore, #tpu.memory_space<semaphore_mem>>
        %dma_start3A_114 = arith.constant 144 : i32
        %dma_start3A_115 = tpu.memref_slice %arg7[%add3A_59, %dma_start3A_114] : memref<262144x160xf32, #tpu.memory_space<hbm>> -> memref<512x16xf32, #tpu.memory_space<hbm>>
        %dma_start3A_116 = arith.constant 144 : i32
        %dma_start3A_117 = tpu.memref_slice %arg7[%add3A_59, %dma_start3A_116] : memref<262144x160xf32, #tpu.memory_space<hbm>> -> memref<512x16xf32, #tpu.memory_space<hbm>>
        tpu.enqueue_dma source(%arg24 : memref<512x16xf32, #tpu.memory_space<vmem>>) target(%dma_start3A_117 : memref<512x16xf32, #tpu.memory_space<hbm>>) target_semaphore(%run_scoped3A : memref<!tpu.dma_semaphore, #tpu.memory_space<semaphore_mem>>)
        %dma_wait3A_118 = arith.constant 144 : i32
        %dma_wait3A_119 = tpu.memref_slice %arg7[%add3A_59, %dma_wait3A_118] : memref<262144x160xf32, #tpu.memory_space<hbm>> -> memref<512x16xf32, #tpu.memory_space<hbm>>
        %dma_wait3A_120 = arith.constant 144 : i32
        %dma_wait3A_121 = tpu.memref_slice %arg7[%add3A_59, %dma_wait3A_120] : memref<262144x160xf32, #tpu.memory_space<hbm>> -> memref<512x16xf32, #tpu.memory_space<hbm>>
        tpu.wait_dma2 semaphore(%run_scoped3A : memref<!tpu.dma_semaphore, #tpu.memory_space<semaphore_mem>>) src(%arg24 : memref<512x16xf32, #tpu.memory_space<vmem>>) dst(%dma_wait3A_121 : memref<512x16xf32, #tpu.memory_space<hbm>>)
        tpu.yield
      }) : () -> ()
    }
    %scan3A_53 = arith.constant 16 : i32
    return
  }
}

</mosaic_0001>

<sc_bundles>
// kernel: kernel.3.cloned.1.call-start
scs
__scs_entry_jumppad:
0x0: {  	(pc) =	sbr.rel $0x88, $3  }
0x1: {  	(tag) =	ssettag $0x0;
	lr =	simm.s32 $0x1  }
0x2: {  	[smem:$0x3F9C] =	sst lr;
	_ =	strace $0xD0000000  }
0x3: {  	_ = 	snop  }
0x4: {  	_ = 	snop  }
0x5: {  	_ = 	snop  }
0x6: {  	_ = 	snop  }
0x7: {  	_ = 	snop  }
__scs_overlays_trampoline_lowered:
0x8: {  	[smem:$0x3FAB] =	sst s0  }
0x9: {  	[smem:$0x3FAC] =	sst s1  }
0xa: {  	[smem:$0x3FAD] =	sst s2  }
0xb: {  	[smem:$0x3FAE] =	sst s3  }
0xc: {  	[smem:$0x3FAF] =	sst s4  }
0xd: {  	[smem:$0x3FB0] =	sst s5  }
0xe: {  	[smem:$0x3FB1] =	sst s6  }
0xf: {  	[smem:$0x3FB2] =	sst s7  }
0x10: {  	[smem:$0x3FB3] =	sst s8  }
0x11: {  	[smem:$0x3FB4] =	sst s9;
	s0 =	simm.s32 @!p0 $0x0  }
0x12: {  	s1 =	sld [smem:$0x3F9A];
	s0 =	simm.s32 @p0 $0x1  }
0x13: {  	[smem:$0x3FB5] =	sst s0;
	s0 =	simm.s32 @!p1 $0x0  }
0x14: {  	s2 =	sld [smem:$0x3F99];
	s0 =	simm.s32 @p1 $0x1  }
0x15: {  	[smem:$0x3FB6] =	sst s0;
	s0 =	simm.s32 @!p2 $0x0  }
0x16: {  	s3 =	sld [smem:$0x3FDB];
	s0 =	simm.s32 @p2 $0x1  }
0x17: {  	s4 =	simm.s32 $0x1BF5;
	[smem:$0x3FB8] =	sst s0  }
0x18: {  	s0 =	sld [smem:$0x3F9B];
	_ =	swait.ge [sflag:s4], $0x0  }
0x19: {  	s7 =	sld [smem:$0x3F9C]  }
0x1a: {  	s8 =	sadd.s32 $0xFFFFE003, lr  }
0x1b: {  	s9 =	sadd.s32 $0xFFFFFEF7, lr;
	s5 =	simm.s32 $0xFFFFFFFF;
	p2 =	slt.u32 s8, $0xFFFFF086  }
0x1c: {  	p1 =	slt.u32 s9, $0xF7A;
	s5 =	simm.s32 @!p2 $0x0  }
0x1d: {  	s5 =	simm.s32 @p1 $0x1;
	p0 =	seq.s32 s7, s2  }
0x1e: {  	s7 =	smul.u32 @!p0 $0xF7A, s2;
	p2 =	seq.s32 @!p0 s5, $0x0  }
0x1f: {  	s9 =	smul.u32 $0xF7A, s1;
	s8 =	simm.s32 @!p0 $0x1BF5;
	p2 =	por !p2, p0  }
0x20: {  	[sflag:s8] =	ssyncset.s32 @!p0 $0xFFFFF086;
	s6 =	sadd.s32 @!p0 s3, s7;
	s7 =	simm.s32 @!p0 $0x108  }
0x21: {  	s3 =	sadd.s32 s3, s9;
	s6 =	sadd.s32 @!p0 $0x88, s6;
	s7 =	simm.s32 @p2 $0x1082  }
0x22: {  	[simem:s7], [sflag:s8] =	dma.local @!p0 [hbm:s6], $0xF7A  }
0x23: {  	s9 =	sor.u32 $0xD0000000, s2;
	s6 =	simm.s32 $0x108;
	_ =	swait.ge @!p0 [sflag:s8], $0x0  }
0x24: {  	s3 =	sadd.s32 $0x88, s3;
	s6 =	simm.s32 @!p1 $0x1082;
	[sflag:s4] =	ssyncset.s32 $0xFFFFF086  }
0x25: {  	[simem:s6], [sflag:s4] =	dma.local [hbm:s3], $0xF7A  }
0x26: {  	[smem:$0x3F9C] =	sst s1;
	(tag) =	ssettag s2;
	_ =	strace s9  }
0x27: {  	s1 =	sld [smem:$0x3FAC]  }
0x28: {  	s2 =	sld [smem:$0x3FAD]  }
0x29: {  	s4 =	sld [smem:$0x3FAF]  }
0x2a: {  	p0 =	seq.s32 s5, $0x0;
	s5 =	sld [smem:$0x3FB0]  }
0x2b: {  	s6 =	sld [smem:$0x3FB1]  }
0x2c: {  	s7 =	sld [smem:$0x3FB2]  }
0x2d: {  	s3 =	simm.s32 $0x108;
	s8 =	sld [smem:$0x3FB3]  }
0x2e: {  	s3 =	simm.s32 @!p0 $0x1082;
	s9 =	sld [smem:$0x3FB4]  }
0x2f: {  	lr =	sadd.s32 s0, s3;
	s0 =	sld [smem:$0x3FAB]  }
0x30: {  	s3 =	sld [smem:$0x3FAE]  }
0x31: {  	[smem:$0x3FB7] =	sst s10  }
0x32: {  	s10 =	sld [smem:$0x3FB5];
	_ =	sdelay $0x3  }
0x33: {  	p0 =	seq.s32 s10, $0x1;
	s10 =	sld [smem:$0x3FB7];
	_ =	sdelay $0x3  }
0x34: {  	[smem:$0x3FB7] =	sst s10  }
0x35: {  	s10 =	sld [smem:$0x3FB6];
	_ =	sdelay $0x3  }
0x36: {  	p1 =	seq.s32 s10, $0x1;
	s10 =	sld [smem:$0x3FB7];
	_ =	sdelay $0x3  }
0x37: {  	[smem:$0x3FB7] =	sst s10  }
0x38: {  	s10 =	sld [smem:$0x3FB8]  }
0x39: {  	_ = 	snop;
	(pc) =	sbr.ind lr, $3  }
0x3a: {  	_ = 	snop  }
0x3b: {  	_ = 	snop  }
0x3c: {  	p2 =	seq.s32 s10, $0x1;
	s10 =	sld [smem:$0x3FB7]  }
0x3d: {  	_ =	shalt  }
0x3e: {  	_ =	shalt  }
0x3f: {  	_ =	shalt  }
0x40: {  	_ =	shalt  }
0x41: {  	_ =	shalt  }
0x42: {  	_ =	shalt  }
0x43: {  	_ =	shalt  }
0x44: {  	_ =	shalt  }
0x45: {  	_ =	shalt  }
0x46: {  	_ =	shalt  }
0x47: {  	_ =	shalt  }
0x48: {  	_ =	shalt  }
0x49: {  	_ =	shalt  }
0x4a: {  	_ =	shalt  }
0x4b: {  	_ =	shalt  }
0x4c: {  	_ =	shalt  }
0x4d: {  	_ =	shalt  }
0x4e: {  	_ =	shalt  }
0x4f: {  	_ =	shalt  }
0x50: {  	_ =	shalt  }
0x51: {  	_ =	shalt  }
0x52: {  	_ =	shalt  }
0x53: {  	_ =	shalt  }
0x54: {  	_ =	shalt  }
0x55: {  	_ =	shalt  }
0x56: {  	_ =	shalt  }
0x57: {  	_ =	shalt  }
0x58: {  	_ =	shalt  }
0x59: {  	_ =	shalt  }
0x5a: {  	_ =	shalt  }
0x5b: {  	_ =	shalt  }
0x5c: {  	_ =	shalt  }
0x5d: {  	_ =	shalt  }
0x5e: {  	_ =	shalt  }
0x5f: {  	_ =	shalt  }
0x60: {  	_ =	shalt  }
0x61: {  	_ =	shalt  }
0x62: {  	_ =	shalt  }
0x63: {  	_ =	shalt  }
0x64: {  	_ =	shalt  }
0x65: {  	_ =	shalt  }
0x66: {  	_ =	shalt  }
0x67: {  	_ =	shalt  }
0x68: {  	_ =	shalt  }
0x69: {  	_ =	shalt  }
0x6a: {  	_ =	shalt  }
0x6b: {  	_ =	shalt  }
0x6c: {  	_ =	shalt  }
0x6d: {  	_ =	shalt  }
0x6e: {  	_ =	shalt  }
0x6f: {  	_ =	shalt  }
0x70: {  	_ =	shalt  }
0x71: {  	_ =	shalt  }
0x72: {  	_ =	shalt  }
0x73: {  	_ =	shalt  }
0x74: {  	_ =	shalt  }
0x75: {  	_ =	shalt  }
0x76: {  	_ =	shalt  }
0x77: {  	_ =	shalt  }
0x78: {  	_ =	shalt  }
0x79: {  	_ =	shalt  }
0x7a: {  	_ =	shalt  }
0x7b: {  	_ =	shalt  }
0x7c: {  	_ =	shalt  }
0x7d: {  	_ =	shalt  }
0x7e: {  	_ =	shalt  }
0x7f: {  	_ =	shalt  }
0x80: {  	_ =	shalt  }
0x81: {  	_ =	shalt  }
0x82: {  	_ =	shalt  }
0x83: {  	_ =	shalt  }
0x84: {  	_ =	shalt  }
0x85: {  	_ =	shalt  }
0x86: {  	_ =	shalt  }
0x87: {  	_ =	shalt  }
.Lfunc_end0:
.L_simem_size_0:
called_computation.1_lowered:
.L_overlay_start_0:
0x88: {  	s2 =	sld [smem:$0x3FD9]  }
0x89: {  	s3 =	sld [smem:$0x3FFE];
	_ =	sdelay $0x1  }
0x8a: {  	s1 =	srdreg.scid  }
0x8b: {  	s0 =	sand.u32 $0x1, s1  }
0x8c: {  	s17 =	sshll.u32 s0, $0xA;
	s2 =	sadd.s32 s3, s2  }
0x8d: {  	s2 =	sadd.s32 s2, s17  }
0x8e: {  	[smem:$0x3FC3] =	sst s2  }
0x8f: {  	_ = 	snop  }
0x90: {  	s2 =	sld [smem:$0x3FD0];
	(tm) =	ssettm $0x1  }
0x91: {  	s18 =	sld [smem:$0x3FFB];
	_ =	sdelay $0x3  }
0x92: {  	_ =	strace s18  }
0x93: {  	s3 =	sld [smem:$0x3FFC];
	_ =	sdelay $0x3  }
0x94: {  	_ =	strace s3  }
0x95: {  	s3 =	sld [smem:$0x3FFD];
	_ =	sdelay $0x3  }
0x96: {  	_ =	strace s3  }
0x97: {  	_ =	strace $0x8FFFFFFF  }
0x98: {  	s19 =	sld [smem:$0x3FDB];
	_ =	sdelay $0x1  }
0x99: {  	s4 =	simm.s32 $_scs_section_size  }
0x9a: {  	s5 =	simm.s32 $_size__tile_overlayer_lowered;
	s6 =	simm.s32 $_tile_overlayer_lowered  }
0x9b: {  	s22 =	simm.s32 $0x1BFF;
	s21 =	sshll.u32 s6, $0x1;
	s3 =	sadd.s32 s4, s19  }
0x9c: {  	s7 =	simm.s32 $0x0;
	s20 =	sshll.u32 s5, $0x1;
	s5 =	sadd.s32 s21, s3  }
0x9d: {  	[timem:s7], [sflag:s22] =	dma.local [hbm:s5], s20  }
0x9e: {  	_ =	swait.ge [sflag:s22], s20  }
0x9f: {  	s4 =	ssub.s32 $0x0, s20;
	[sflag:s22] =	ssyncset.done $0x0  }
0xa0: {  	[sflag:s22] =	ssyncadd.s32 s4;
	_ =	sdelay $0x1  }
0xa1: {  	s23 =	simm.s32 $0x1B8B  }
0xa2: {  	_ =	swait.ge [sflag:s23], $0x1  }
0xa3: {  	[sflag:s23] =	ssyncset.done $0x0  }
0xa4: {  	s25 =	simm.s32 $0x1B8E;
	s24 =	sld [smem:$0x3FFE];
	[sflag:s23] =	ssyncadd.s32 $0xFFFFFFFF  }
0xa5: {  	s26 =	simm.s32 $execute0_lowered;
	[smem:$0x3FD2] =	sst s25  }
0xa6: {  	s5 =	sshll.u32 s26, $0x1;
	_ =	strace $0x80000046;
	[dreg:$0x1] =	wrdreg $0xFFFFFFFF  }
0xa7: {  	s28 =	simm.s32 $_size_execute0_lowered;
	s3 =	sadd.s32 s3, s5;
	[dreg:$0x0] =	wrdreg $0x0  }
0xa8: {  	s5 =	sshll.u32 s28, $0x1;
	[dreg:$0x2] =	wrdreg s3  }
0xa9: {  	[dreg:$0x3] =	wrdreg s5  }
0xaa: {  	[dreg:$0x4] =	wrdreg $0xC0  }
0xab: {  	_ =	task [dreg:s7], $0x5FFFF  }
0xac: {  	[dreg:$0x1] =	wrdreg $0xFFFFFFFF  }
0xad: {  	[dreg:$0x0] =	wrdreg $0x60  }
0xae: {  	[dreg:$0x2] =	wrdreg s24  }
0xaf: {  	[dreg:$0x3] =	wrdreg s2  }
0xb0: {  	[dreg:$0x4] =	wrdreg $0x9  }
0xb1: {  	_ =	task.clear_ibuf [dreg:s7], $0x5FFFF;
	_ =	strace $0x90000046  }
0xb2: {  	s29 =	simm.s32 $0x9;
	_ =	strace $0x80000048  }
0xb3: {  	_ =	swait.ge [sflag:s29], $0x1  }
0xb4: {  	[sflag:s29] =	ssyncadd.s32 $0xFFFFFFFF  }
0xb5: {  	_ =	strace $0x90000048  }
0xb6: {  	_ =	sfence  }
0xb7: {  	s30 =	sld [smem:$0x0];
	_ =	sdelay $0x2  }
0xb8: {  	s31 =	sshll.u32 s1, $0xD;
	s1 =	sshrl.u32 s1, $0x2  }
0xb9: {  	s3 =	sand.u32 $0x4000, s31;
	s1 =	sadd.s32 s1, s30  }
0xba: {  	s0 =	sor.u32 s3, s0;
	s1 =	sshll.u32 s1, $0x11  }
0xbb: {  	s0 =	sor.u32 s1, s0  }
0xbc: {  	s0 =	sadd.s32 $0x8F2B, s0  }
0xbd: {  	[sflag:s0] =	ssyncadd.remote.s32 $0x1  }
0xbe: {  	_ =	sfence.sel $0xFFFF  }
0xbf: {  	[dreg:$0x0] =	wrdreg $0xFFFFFFFF;
	(pc) =	sbr.abs _section_cstart, $3  }
0xc0: {  	[dreg:$0x1] =	wrdreg $0xFFFFFFFF  }
0xc1: {  	_ =	task.clear_ibuf [dreg:s7], $0x2FFFF;
	_ =	strace $0x9FFFFFFF  }
0xc2: {  	(tm) =	ssettm $0x7FFFFFFF  }
0xc3: {  	_ =	shalt  }
tec
execute0_lowered:
.L_overlay_start_1:
0x0: {  	(tag) =	ssettag $0x1  }
0x1: {  	s0 =	rddreg [dreg:$0x0]  }
0x2: {  	s5 =	rddreg [dreg:$0x1];
	s2 =	simm.s32 $0x0  }
0x3: {  	s18 =	srdreg.scid;
	[smem:$0x7FF] =	sst s2;
	s1 =	sadd.s32 $0xC6800, s0  }
0x4: {  	s17 =	sadd.s32 $0x3000, s0;
	_ =	strace $0x80000047;
	[dreg:$0x3] =	wrdreg s1  }
0x5: {  	s4 =	stileid.u32;
	s3 =	sadd.s32 $0x64C00, s0;
	[dreg:$0x4] =	wrdreg s17  }
0x6: {  	s28 =	simm.s32 $0xC000;
	s19 =	sadd.s32 $0x2000, s0;
	[dreg:$0x5] =	wrdreg s3  }
0x7: {  	s30 =	simm.s32 $0xE000;
	s22 =	sadd.s32 $0x4, s5;
	[dreg:$0x6] =	wrdreg s19  }
0x8: {  	s29 =	simm.s32 $0x10;
	s23 =	sadd.s32 $0x8, s5;
	[dreg:$0x8] =	wrdreg s22  }
0x9: {  	s8 =	sadd.s32 $0x2800, s0;
	s24 =	sadd.s32 $0xA, s5;
	[dreg:$0x9] =	wrdreg s23  }
0xa: {  	s4 =	sshll.u32 s4, $0xE;
	s25 =	sadd.s32 $0xC, s5;
	[dreg:$0xa] =	wrdreg s24  }
0xb: {  	s26 =	sadd.s32 $0xE, s5;
	s31 =	sadd.s32 $0x10, s5;
	[dreg:$0xb] =	wrdreg s25  }
0xc: {  	s16 =	sadd.s32 $0x12, s5;
	s1 =	sand.u32 $0x1, s18;
	[dreg:$0xc] =	wrdreg s26  }
0xd: {  	[dreg:$0xd] =	wrdreg s31;
	s18 =	simm.s32 $0x2;
	s19 =	simm.s32 $0x200  }
0xe: {  	v0 =	vlaneseq.u32;
	s23 =	simm.s32 $0x6000;
	s25 =	simm.s32 $0xA000;
	s17 =	simm.s32 $0x12000  }
0xf: {  	v0 =	vmul.u32 $0x8, v0;
	s22 =	simm.s32 $0x1;
	s24 =	simm.s32 $0x20;
	s20 =	ssub.s32 $0x2, s1  }
0x10: {  	s26 =	simm.s32 $0xA0;
	s1 =	sshll.u32 s1, $0xD;
	s21 =	sshrl.u32 s20, $0x1  }
0x11: {  	s3 =	simm.s32 $0x0;
	v1 =	vor.u32 $0x1, v0;
	s1 =	sor.u32 s1, s4;
	s0 =	ssub.s32 s20, s21  }
0x12: {  	v2 =	vor.u32 $0x2, v0;
	v3 =	vor.u32 $0x3, v0;
	v4 =	vor.u32 $0x4, v0;
	[dreg:$0x7] =	wrdreg s1;
	s21 =	simm.s32 $0x2000;
	s0 =	smax.u32 s0, $0x1  }
0x13: {  	v5 =	vor.u32 $0x5, v0;
	v6 =	vor.u32 $0x6, v0;
	v7 =	vor.u32 $0x7, v0;
	s20 =	simm.s32 $0x14000;
	[dreg:$0xe] =	wrdreg s0;
	s0 =	simm.s32 $0x10000  }
.LBB2_1:
0x14: {  	[dreg:$0xf] =	wrdreg s3;
	s31 =	simm.s32 $0x0  }
.LBB2_2:
0x15: {  	s1 =	sshll.u32 s31, $0x9;
	s3 =	rddreg [dreg:$0x7]  }
0x16: {  	s4 =	simm.s32 $0x0;
	s14 =	rddreg [dreg:$0x3];
	s5 =	sadd.s32 s3, s1  }
0x17: {  	v8 =	vor.u32 s4, v0;
	s1 =	sadd.s32 s14, s5  }
0x18: {  	[tilespmem:s4], [sflag:$0x2] =	stream.linear.gather [hbm4b:s1+s4], $0x1000, $0x38;
	[tilespmem:$0x16000] =	vst v63  }
0x19: {  	_ =	swait.ge [sflag:s18], $0x1000  }
0x1a: {  	[sflag:s18] =	ssyncset.done $0x0  }
0x1b: {  	[sflag:s18] =	ssyncadd.s32 $0xFFFFF000  }
0x1c: {  	v8 =	vld.idx.msk [tilespmem:v8+s2+$0x0], $0xffff  }
0x1d: {  	v9 =	vor.u32 s4, v1;
	_ =	sdelay $0x2  }
0x1e: {  	s6 =	simm.s32 $0x1010  }
0x1f: {  	[tilespmem:s6+$0xFFFFFFF0] =	vst v8  }
0x20: {  	v8 =	vld.idx.msk [tilespmem:v9+s2+$0x0], $0xffff  }
0x21: {  	v9 =	vor.u32 s4, v2;
	_ =	sdelay $0x2  }
0x22: {  	s1 =	simm.s32 $0x1210  }
0x23: {  	[tilespmem:s1+$0xFFFFFFF0] =	vst v8  }
0x24: {  	v8 =	vld.idx.msk [tilespmem:v9+s2+$0x0], $0xffff  }
0x25: {  	v9 =	vor.u32 s4, v3;
	_ =	sdelay $0x2  }
0x26: {  	s3 =	simm.s32 $0x1410  }
0x27: {  	[tilespmem:s3+$0xFFFFFFF0] =	vst v8  }
0x28: {  	v8 =	vld.idx.msk [tilespmem:v9+s2+$0x0], $0xffff  }
0x29: {  	v9 =	vor.u32 s4, v4;
	_ =	sdelay $0x2  }
0x2a: {  	s7 =	simm.s32 $0x1610  }
0x2b: {  	[tilespmem:s7+$0xFFFFFFF0] =	vst v8  }
0x2c: {  	v8 =	vld.idx.msk [tilespmem:v9+s2+$0x0], $0xffff  }
0x2d: {  	v9 =	vor.u32 s4, v5;
	_ =	sdelay $0x2  }
0x2e: {  	s9 =	simm.s32 $0x1810  }
0x2f: {  	[tilespmem:s9+$0xFFFFFFF0] =	vst v8  }
0x30: {  	v8 =	vld.idx.msk [tilespmem:v9+s2+$0x0], $0xffff  }
0x31: {  	v9 =	vor.u32 s4, v6;
	_ =	sdelay $0x2  }
0x32: {  	s10 =	simm.s32 $0x1A10  }
0x33: {  	[tilespmem:s10+$0xFFFFFFF0] =	vst v8  }
0x34: {  	v8 =	vld.idx.msk [tilespmem:v9+s2+$0x0], $0xffff  }
0x35: {  	v9 =	vor.u32 s4, v7;
	_ =	sdelay $0x2  }
0x36: {  	s15 =	simm.s32 $0x1C10  }
0x37: {  	[tilespmem:s15+$0xFFFFFFF0] =	vst v8  }
0x38: {  	s11 =	simm.s32 $0x80;
	v8 =	vld.idx.msk [tilespmem:v9+s2+$0x0], $0xffff  }
0x39: {  	v9 =	vor.u32 s11, v0;
	_ =	sdelay $0x2  }
0x3a: {  	s13 =	simm.s32 $0x1E10  }
0x3b: {  	[tilespmem:s13+$0xFFFFFFF0] =	vst v8  }
0x3c: {  	v8 =	vld.idx.msk [tilespmem:v9+s2+$0x0], $0xffff  }
0x3d: {  	v9 =	vor.u32 s11, v1;
	_ =	sdelay $0x3  }
0x3e: {  	[tilespmem:s6+$0x0] =	vst v8  }
0x3f: {  	v8 =	vld.idx.msk [tilespmem:v9+s2+$0x0], $0xffff  }
0x40: {  	v9 =	vor.u32 s11, v2;
	_ =	sdelay $0x3  }
0x41: {  	[tilespmem:s1+$0x0] =	vst v8  }
0x42: {  	v8 =	vld.idx.msk [tilespmem:v9+s2+$0x0], $0xffff  }
0x43: {  	v9 =	vor.u32 s11, v3;
	_ =	sdelay $0x3  }
0x44: {  	[tilespmem:s3+$0x0] =	vst v8  }
0x45: {  	v8 =	vld.idx.msk [tilespmem:v9+s2+$0x0], $0xffff  }
0x46: {  	v9 =	vor.u32 s11, v4;
	_ =	sdelay $0x3  }
0x47: {  	[tilespmem:s7+$0x0] =	vst v8  }
0x48: {  	v8 =	vld.idx.msk [tilespmem:v9+s2+$0x0], $0xffff  }
0x49: {  	v9 =	vor.u32 s11, v5;
	_ =	sdelay $0x3  }
0x4a: {  	[tilespmem:s9+$0x0] =	vst v8  }
0x4b: {  	v8 =	vld.idx.msk [tilespmem:v9+s2+$0x0], $0xffff  }
0x4c: {  	v9 =	vor.u32 s11, v6;
	_ =	sdelay $0x3  }
0x4d: {  	[tilespmem:s10+$0x0] =	vst v8  }
0x4e: {  	v8 =	vld.idx.msk [tilespmem:v9+s2+$0x0], $0xffff  }
0x4f: {  	v9 =	vor.u32 s11, v7;
	_ =	sdelay $0x3  }
0x50: {  	[tilespmem:s15+$0x0] =	vst v8  }
0x51: {  	s12 =	simm.s32 $0x100;
	v9 =	vld.idx.msk [tilespmem:v9+s2+$0x0], $0xffff  }
0x52: {  	v8 =	vor.u32 s12, v0  }
0x53: {  	s14 =	simm.s32 $0x2  }
0x54: {  	s4 =	simm.s32 $0x1E30;
	s6 =	simm.s32 $0x1C30;
	s7 =	simm.s32 $0x1A30  }
0x55: {  	s9 =	simm.s32 $0x1830;
	s10 =	simm.s32 $0x1630;
	s11 =	simm.s32 $0x1030  }
.LBB2_3:
0x56: {  	s14 =	sadd.s32 $0x2, s14;
	[tilespmem:s13+$0x0] =	vst v9;
	s1 =	sadd.s32 $0x20, s1;
	s3 =	sadd.s32 $0x20, s3  }
0x57: {  	s13 =	smov.u32 s4;
	p0 =	slt.u32 s14, $0x1E;
	v8 =	vld.idx.msk [tilespmem:v8+s2+$0x0], $0xffff;
	_ =	sdelay $0x1  }
0x58: {  	v9 =	vor.u32 s12, v1;
	_ =	sdelay $0x3  }
0x59: {  	[tilespmem:s11+$0xFFFFFFF0] =	vst v8  }
0x5a: {  	v8 =	vld.idx.msk [tilespmem:v9+s2+$0x0], $0xffff;
	_ =	sdelay $0x1  }
0x5b: {  	v9 =	vor.u32 s12, v2;
	_ =	sdelay $0x3  }
0x5c: {  	[tilespmem:s1+$0xFFFFFFF0] =	vst v8  }
0x5d: {  	v8 =	vld.idx.msk [tilespmem:v9+s2+$0x0], $0xffff;
	_ =	sdelay $0x1  }
0x5e: {  	v9 =	vor.u32 s12, v3;
	_ =	sdelay $0x3  }
0x5f: {  	[tilespmem:s3+$0xFFFFFFF0] =	vst v8  }
0x60: {  	v8 =	vld.idx.msk [tilespmem:v9+s2+$0x0], $0xffff;
	_ =	sdelay $0x1  }
0x61: {  	v9 =	vor.u32 s12, v4;
	_ =	sdelay $0x3  }
0x62: {  	[tilespmem:s10+$0xFFFFFFF0] =	vst v8  }
0x63: {  	v8 =	vld.idx.msk [tilespmem:v9+s2+$0x0], $0xffff;
	_ =	sdelay $0x1  }
0x64: {  	v9 =	vor.u32 s12, v5;
	_ =	sdelay $0x3  }
0x65: {  	[tilespmem:s9+$0xFFFFFFF0] =	vst v8  }
0x66: {  	v8 =	vld.idx.msk [tilespmem:v9+s2+$0x0], $0xffff;
	_ =	sdelay $0x1  }
0x67: {  	v9 =	vor.u32 s12, v6;
	_ =	sdelay $0x3  }
0x68: {  	[tilespmem:s7+$0xFFFFFFF0] =	vst v8  }
0x69: {  	v8 =	vld.idx.msk [tilespmem:v9+s2+$0x0], $0xffff;
	_ =	sdelay $0x1  }
0x6a: {  	v9 =	vor.u32 s12, v7;
	_ =	sdelay $0x3  }
0x6b: {  	[tilespmem:s6+$0xFFFFFFF0] =	vst v8  }
0x6c: {  	v8 =	vld.idx.msk [tilespmem:v9+s2+$0x0], $0xffff  }
0x6d: {  	s15 =	sadd.s32 $0x80, s12  }
0x6e: {  	v9 =	vor.u32 s15, v0;
	_ =	sdelay $0x3  }
0x6f: {  	[tilespmem:s4+$0xFFFFFFF0] =	vst v8  }
0x70: {  	v8 =	vld.idx.msk [tilespmem:v9+s2+$0x0], $0xffff;
	_ =	sdelay $0x1  }
0x71: {  	v9 =	vor.u32 s15, v1;
	_ =	sdelay $0x3  }
0x72: {  	[tilespmem:s11+$0x0] =	vst v8  }
0x73: {  	v8 =	vld.idx.msk [tilespmem:v9+s2+$0x0], $0xffff;
	_ =	sdelay $0x1  }
0x74: {  	v9 =	vor.u32 s15, v2;
	_ =	sdelay $0x3  }
0x75: {  	[tilespmem:s1+$0x0] =	vst v8  }
0x76: {  	v8 =	vld.idx.msk [tilespmem:v9+s2+$0x0], $0xffff;
	_ =	sdelay $0x1  }
0x77: {  	v9 =	vor.u32 s15, v3;
	_ =	sdelay $0x3  }
0x78: {  	[tilespmem:s3+$0x0] =	vst v8  }
0x79: {  	v8 =	vld.idx.msk [tilespmem:v9+s2+$0x0], $0xffff;
	_ =	sdelay $0x1  }
0x7a: {  	v9 =	vor.u32 s15, v4;
	_ =	sdelay $0x3  }
0x7b: {  	[tilespmem:s10+$0x0] =	vst v8  }
0x7c: {  	v8 =	vld.idx.msk [tilespmem:v9+s2+$0x0], $0xffff;
	_ =	sdelay $0x1  }
0x7d: {  	v9 =	vor.u32 s15, v5;
	_ =	sdelay $0x3  }
0x7e: {  	[tilespmem:s9+$0x0] =	vst v8  }
0x7f: {  	v8 =	vld.idx.msk [tilespmem:v9+s2+$0x0], $0xffff;
	_ =	sdelay $0x1  }
0x80: {  	v9 =	vor.u32 s15, v6;
	_ =	sdelay $0x3  }
0x81: {  	[tilespmem:s7+$0x0] =	vst v8  }
0x82: {  	v8 =	vld.idx.msk [tilespmem:v9+s2+$0x0], $0xffff;
	_ =	sdelay $0x1  }
0x83: {  	v9 =	vor.u32 s15, v7;
	_ =	sdelay $0x3  }
0x84: {  	[tilespmem:s6+$0x0] =	vst v8  }
0x85: {  	v9 =	vld.idx.msk [tilespmem:v9+s2+$0x0], $0xffff  }
.Ltmp0:
0x86: {  	s12 =	sadd.s32 $0x100, s12;
	(pc) =	sbr.rel @p0 .LBB2_3-.Ltmp0, $3  }
0x87: {  	v8 =	vor.u32 s12, v0;
	_ =	sdelay $0x1  }
0x88: {  	s4 =	sadd.s32 $0x20, s4;
	s11 =	sadd.s32 $0x20, s11;
	s6 =	sadd.s32 $0x20, s6  }
0x89: {  	s10 =	sadd.s32 $0x20, s10;
	s9 =	sadd.s32 $0x20, s9;
	s7 =	sadd.s32 $0x20, s7  }
0x8a: {  	_ =	sdelay $0x2  }
0x8b: {  	[tilespmem:s13+$0x0] =	vst v9  }
0x8c: {  	v8 =	vld.idx.msk [tilespmem:v8+s2+$0x0], $0xffff  }
0x8d: {  	v49 =	vor.u32 s12, v1;
	_ =	sdelay $0x3  }
0x8e: {  	[tilespmem:s11+$0xFFFFFFF0] =	vst v8  }
0x8f: {  	v8 =	vld.idx.msk [tilespmem:v49+s2+$0x0], $0xffff  }
0x90: {  	v50 =	vor.u32 s12, v2;
	_ =	sdelay $0x2  }
0x91: {  	s1 =	sadd.s32 $0x20, s1  }
0x92: {  	[tilespmem:s1+$0xFFFFFFF0] =	vst v8  }
0x93: {  	v8 =	vld.idx.msk [tilespmem:v50+s2+$0x0], $0xffff  }
0x94: {  	v51 =	vor.u32 s12, v3;
	_ =	sdelay $0x2  }
0x95: {  	s3 =	sadd.s32 $0x20, s3  }
0x96: {  	[tilespmem:s3+$0xFFFFFFF0] =	vst v8  }
0x97: {  	v8 =	vld.idx.msk [tilespmem:v51+s2+$0x0], $0xffff  }
0x98: {  	v52 =	vor.u32 s12, v4;
	_ =	sdelay $0x3  }
0x99: {  	[tilespmem:s10+$0xFFFFFFF0] =	vst v8  }
0x9a: {  	v8 =	vld.idx.msk [tilespmem:v52+s2+$0x0], $0xffff  }
0x9b: {  	v53 =	vor.u32 s12, v5;
	_ =	sdelay $0x3  }
0x9c: {  	[tilespmem:s9+$0xFFFFFFF0] =	vst v8  }
0x9d: {  	v8 =	vld.idx.msk [tilespmem:v53+s2+$0x0], $0xffff  }
0x9e: {  	v54 =	vor.u32 s12, v6;
	_ =	sdelay $0x3  }
0x9f: {  	[tilespmem:s7+$0xFFFFFFF0] =	vst v8  }
0xa0: {  	v8 =	vld.idx.msk [tilespmem:v54+s2+$0x0], $0xffff  }
0xa1: {  	v55 =	vor.u32 s12, v7;
	_ =	sdelay $0x3  }
0xa2: {  	[tilespmem:s6+$0xFFFFFFF0] =	vst v8  }
0xa3: {  	s15 =	sadd.s32 $0x80, s12;
	v8 =	vld.idx.msk [tilespmem:v55+s2+$0x0], $0xffff  }
0xa4: {  	v56 =	vor.u32 s15, v0;
	_ =	sdelay $0x3  }
0xa5: {  	[tilespmem:s4+$0xFFFFFFF0] =	vst v8  }
0xa6: {  	v8 =	vld.idx.msk [tilespmem:v56+s2+$0x0], $0xffff  }
0xa7: {  	v57 =	vor.u32 s15, v1;
	_ =	sdelay $0x3  }
0xa8: {  	[tilespmem:s11+$0x0] =	vst v8  }
0xa9: {  	v8 =	vld.idx.msk [tilespmem:v57+s2+$0x0], $0xffff  }
0xaa: {  	v58 =	vor.u32 s15, v2;
	_ =	sdelay $0x3  }
0xab: {  	[tilespmem:s1+$0x0] =	vst v8  }
0xac: {  	v8 =	vld.idx.msk [tilespmem:v58+s2+$0x0], $0xffff  }
0xad: {  	v59 =	vor.u32 s15, v3;
	_ =	sdelay $0x3  }
0xae: {  	[tilespmem:s3+$0x0] =	vst v8  }
0xaf: {  	v8 =	vld.idx.msk [tilespmem:v59+s2+$0x0], $0xffff  }
0xb0: {  	v60 =	vor.u32 s15, v4;
	_ =	sdelay $0x3  }
0xb1: {  	[tilespmem:s10+$0x0] =	vst v8  }
0xb2: {  	v8 =	vld.idx.msk [tilespmem:v60+s2+$0x0], $0xffff  }
0xb3: {  	v61 =	vor.u32 s15, v5;
	_ =	sdelay $0x3  }
0xb4: {  	[tilespmem:s9+$0x0] =	vst v8  }
0xb5: {  	v8 =	vld.idx.msk [tilespmem:v61+s2+$0x0], $0xffff  }
0xb6: {  	v62 =	vor.u32 s15, v6;
	_ =	sdelay $0x3  }
0xb7: {  	[tilespmem:s7+$0x0] =	vst v8  }
0xb8: {  	v8 =	vld.idx.msk [tilespmem:v62+s2+$0x0], $0xffff  }
0xb9: {  	v63 =	vor.u32 s15, v7;
	_ =	sdelay $0x3  }
0xba: {  	[tilespmem:s6+$0x0] =	vst v8  }
0xbb: {  	v8 =	vld.idx.msk [tilespmem:v63+s2+$0x0], $0xffff;
	_ =	sdelay $0x4  }
0xbc: {  	s9 =	simm.s32 $0x1000;
	s7 =	rddreg [dreg:$0x4];
	[tilespmem:s4+$0x0] =	vst v8  }
0xbd: {  	[tilespmem:s21], [sflag:$0x1] =	stream.indirect.gather [hbm4b:s7+s19], $0x20, s9, s19, $0xb8;
	[tilespmem:$0x16000] =	vst v63  }
0xbe: {  	s11 =	simm.s32 $0x1200;
	s10 =	rddreg [dreg:$0x5]  }
0xbf: {  	[tilespmem:s23], [sflag:$0x1] =	stream.indirect.gather [hbm4b:s10+s19], $0x20, s11, s19, $0xb8;
	[tilespmem:$0x16000] =	vst v63  }
0xc0: {  	s12 =	rddreg [dreg:$0x6];
	s13 =	simm.s32 $0x1400  }
0xc1: {  	[tilespmem:s25], [sflag:$0x1] =	stream.indirect.gather [hbm4b:s12+s19], $0x10, s13, s19, $0xb8;
	[tilespmem:$0x16000] =	vst v63  }
0xc2: {  	s14 =	simm.s32 $0x1600  }
0xc3: {  	[tilespmem:s28], [sflag:$0x1] =	stream.indirect.gather [hbm4b:s8+s19], $0x10, s14, s19, $0xb8;
	[tilespmem:$0x16000] =	vst v63  }
0xc4: {  	s15 =	simm.s32 $0x1800  }
0xc5: {  	[tilespmem:s30], [sflag:$0x1] =	stream.indirect.gather [hbm4b:s8+s19], $0x10, s15, s19, $0xb8;
	[tilespmem:$0x16000] =	vst v63  }
0xc6: {  	s3 =	simm.s32 $0x1A00  }
0xc7: {  	[tilespmem:s0], [sflag:$0x1] =	stream.indirect.gather [hbm4b:s8+s19], $0x10, s3, s19, $0xb8;
	[tilespmem:$0x16000] =	vst v63  }
0xc8: {  	s4 =	simm.s32 $0x1C00  }
0xc9: {  	[tilespmem:s17], [sflag:$0x1] =	stream.indirect.gather [hbm4b:s8+s19], $0x10, s4, s19, $0xb8;
	[tilespmem:$0x16000] =	vst v63  }
0xca: {  	s6 =	simm.s32 $0x1E00  }
0xcb: {  	[tilespmem:s20], [sflag:$0x1] =	stream.indirect.gather [hbm4b:s8+s19], $0x10, s6, s19, $0xb8;
	[tilespmem:$0x16000] =	vst v63  }
0xcc: {  	_ =	swait.ge [sflag:s22], $0x4000  }
0xcd: {  	[sflag:s22] =	ssyncset.done $0x0  }
0xce: {  	[sflag:s22] =	ssyncadd.s32 $0xFFFFC000  }
0xcf: {  	_ =	swait.ge [sflag:s22], $0x4000  }
0xd0: {  	[sflag:s22] =	ssyncset.done $0x0  }
0xd1: {  	[sflag:s22] =	ssyncadd.s32 $0xFFFFC000  }
0xd2: {  	_ =	swait.ge [sflag:s22], $0x2000  }
0xd3: {  	[sflag:s22] =	ssyncset.done $0x0  }
0xd4: {  	[sflag:s22] =	ssyncadd.s32 $0xFFFFE000  }
0xd5: {  	_ =	swait.ge [sflag:s22], $0x2000  }
0xd6: {  	[sflag:s22] =	ssyncset.done $0x0  }
0xd7: {  	[sflag:s22] =	ssyncadd.s32 $0xFFFFE000  }
0xd8: {  	_ =	swait.ge [sflag:s22], $0x2000  }
0xd9: {  	[sflag:s22] =	ssyncset.done $0x0  }
0xda: {  	[sflag:s22] =	ssyncadd.s32 $0xFFFFE000  }
0xdb: {  	_ =	swait.ge [sflag:s22], $0x2000  }
0xdc: {  	[sflag:s22] =	ssyncset.done $0x0  }
0xdd: {  	[sflag:s22] =	ssyncadd.s32 $0xFFFFE000  }
0xde: {  	_ =	swait.ge [sflag:s22], $0x2000  }
0xdf: {  	[sflag:s22] =	ssyncset.done $0x0  }
0xe0: {  	[sflag:s22] =	ssyncadd.s32 $0xFFFFE000  }
0xe1: {  	_ =	swait.ge [sflag:s22], $0x2000  }
0xe2: {  	[sflag:s22] =	ssyncset.done $0x0  }
0xe3: {  	s7 =	smul.u32 $0x14, s5;
	[sflag:s22] =	ssyncadd.s32 $0xFFFFE000  }
0xe4: {  	s9 =	rddreg [dreg:$0x1]  }
0xe5: {  	s3 =	sadd.s32 s9, s7  }
0xe6: {  	[hbm4b:s3+s24] =	stream.strided.scatter [tilespmem:s21], [sflag:$0x2], $0x4000, s26, s24, $0x38;
	[tilespmem:$0x16000] =	vst v63  }
0xe7: {  	_ =	swait.ge [sflag:s18], $0x4000  }
0xe8: {  	[sflag:s18] =	ssyncset.done $0x0;
	s10 =	rddreg [dreg:$0x8]  }
0xe9: {  	[sflag:s18] =	ssyncadd.s32 $0xFFFFC000;
	s3 =	sadd.s32 s7, s10  }
0xea: {  	[hbm4b:s3+s24] =	stream.strided.scatter [tilespmem:s23], [sflag:$0x2], $0x4000, s26, s24, $0x38;
	[tilespmem:$0x16000] =	vst v63  }
0xeb: {  	_ =	swait.ge [sflag:s18], $0x4000  }
0xec: {  	[sflag:s18] =	ssyncset.done $0x0;
	s11 =	rddreg [dreg:$0x9]  }
0xed: {  	[sflag:s18] =	ssyncadd.s32 $0xFFFFC000;
	s3 =	sadd.s32 s7, s11  }
0xee: {  	[hbm4b:s3+s29] =	stream.strided.scatter [tilespmem:s25], [sflag:$0x2], $0x2000, s26, s29, $0x38;
	[tilespmem:$0x16000] =	vst v63  }
0xef: {  	_ =	swait.ge [sflag:s18], $0x2000  }
0xf0: {  	[sflag:s18] =	ssyncset.done $0x0;
	s12 =	rddreg [dreg:$0xa]  }
0xf1: {  	[sflag:s18] =	ssyncadd.s32 $0xFFFFE000;
	s3 =	sadd.s32 s7, s12  }
0xf2: {  	[hbm4b:s3+s29] =	stream.strided.scatter [tilespmem:s28], [sflag:$0x2], $0x2000, s26, s29, $0x38;
	[tilespmem:$0x16000] =	vst v63  }
0xf3: {  	_ =	swait.ge [sflag:s18], $0x2000  }
0xf4: {  	[sflag:s18] =	ssyncset.done $0x0;
	s13 =	rddreg [dreg:$0xb]  }
0xf5: {  	[sflag:s18] =	ssyncadd.s32 $0xFFFFE000;
	s3 =	sadd.s32 s7, s13  }
0xf6: {  	[hbm4b:s3+s29] =	stream.strided.scatter [tilespmem:s30], [sflag:$0x2], $0x2000, s26, s29, $0x38;
	[tilespmem:$0x16000] =	vst v63  }
0xf7: {  	_ =	swait.ge [sflag:s18], $0x2000  }
0xf8: {  	[sflag:s18] =	ssyncset.done $0x0;
	s14 =	rddreg [dreg:$0xc]  }
0xf9: {  	[sflag:s18] =	ssyncadd.s32 $0xFFFFE000;
	s3 =	sadd.s32 s7, s14  }
0xfa: {  	[hbm4b:s3+s29] =	stream.strided.scatter [tilespmem:s0], [sflag:$0x2], $0x2000, s26, s29, $0x38;
	[tilespmem:$0x16000] =	vst v63  }
0xfb: {  	_ =	swait.ge [sflag:s18], $0x2000  }
0xfc: {  	[sflag:s18] =	ssyncset.done $0x0;
	s15 =	rddreg [dreg:$0xd]  }
0xfd: {  	[sflag:s18] =	ssyncadd.s32 $0xFFFFE000;
	s3 =	sadd.s32 s7, s15  }
0xfe: {  	[hbm4b:s3+s29] =	stream.strided.scatter [tilespmem:s17], [sflag:$0x2], $0x2000, s26, s29, $0x38;
	[tilespmem:$0x16000] =	vst v63  }
0xff: {  	s31 =	sadd.s32 $0x1, s31;
	_ =	swait.ge [sflag:s18], $0x2000  }
0x100: {  	p0 =	sne.s32 s31, $0x10;
	[sflag:s18] =	ssyncset.done $0x0  }
.Ltmp1:
0x101: {  	s1 =	sadd.s32 s7, s16;
	[sflag:s18] =	ssyncadd.s32 $0xFFFFE000;
	(pc) =	sbr.rel @p0 .LBB2_2-.Ltmp1, $4  }
0x102: {  	[hbm4b:s1+s29] =	stream.strided.scatter [tilespmem:s20], [sflag:$0x2], $0x2000, s26, s29, $0x38;
	[tilespmem:$0x16000] =	vst v63  }
0x103: {  	_ =	swait.ge [sflag:s18], $0x2000  }
0x104: {  	[sflag:s18] =	ssyncset.done $0x0  }
0x105: {  	[sflag:s18] =	ssyncadd.s32 $0xFFFFE000  }
0x106: {  	s3 =	rddreg [dreg:$0xf]  }
0x107: {  	s1 =	rddreg [dreg:$0xe];
	s3 =	sadd.s32 $0x1, s3  }
0x108: {  	p0 =	sne.s32 s3, s1  }
.Ltmp2:
0x109: {  	_ = 	snop;
	(pc) =	sbr.rel @p0 .LBB2_1-.Ltmp2, $1  }
0x10a: {  	_ =	sdelay $0x3  }
0x10b: {  	_ =	sfence.sel $0x180000  }
0x10c: {  	[bflag:$0x0] =	sbarrier.arrive $0xFFFF  }
0x10d: {  	_ =	strace $0x90000047  }
0x10e: {  	s0 =	stileid.u32;
	[bflag:$0x2] =	sbarrier.arrive $0xFFFF  }
0x10f: {  	p0 =	sne.s32 s0, $0x0;
	s0 =	rddreg [dreg:$0x2]  }
0x110: {  	s0 =	sadd.s32 @!p0 $0x100000, s0  }
0x111: {  	[sflag:s0] =	ssyncadd.tile.s32 @!p0 $0x1;
	_ =	shalt  }
.Lfunc_end2:
_tile_overlayer_lowered:
.L_overlay_start_2:
0x112: {  	(tag) =	ssettag $0x2  }
0x113: {  	s0 =	rddreg [dreg:$0x0];
	s2 =	stileid.u32  }
0x114: {  	s1 =	rddreg [dreg:$0x1];
	p0 =	sne.s32 s2, $0x0  }
0x115: {  	s3 =	rddreg [dreg:$0x2];
	[bflag:$0x3] =	sbarrier.arrive $0xFFFF;
	s2 =	simm.s32 @!p0 $0x1C02  }
0x116: {  	[timem:s3], [sflag:s2] =	dma.local @!p0 [hbm:s0], s1  }
0x117: {  	s0 =	simm.s32 @!p0 $0x2  }
0x118: {  	_ =	swait.ge @!p0 [sflag:s0], s1  }
0x119: {  	s1 =	ssub.s32 @!p0 $0x0, s1;
	[sflag:s0] =	ssyncset.done @!p0 $0x0  }
0x11a: {  	[sflag:s0] =	ssyncadd.s32 @!p0 s1  }
0x11b: {  	[bflag:$0x3] =	sbarrier.arrive $0xFFFF  }
0x11c: {  	_ =	shalt  }

// kernel: sparse-core-data-format-call.cloned.1.call-start
scs
called_computation_lowered:
.L_overlay_start_0:
0x0: {  	s2 =	sld [smem:$0x3FD9]  }
0x1: {  	s3 =	sld [smem:$0x3FFE];
	_ =	sdelay $0x1  }
0x2: {  	s1 =	srdreg.scid  }
0x3: {  	s0 =	sand.u32 $0x1, s1  }
0x4: {  	s18 =	sshll.u32 s0, $0xA;
	s2 =	sadd.s32 s3, s2  }
0x5: {  	s2 =	sadd.s32 s2, s18  }
0x6: {  	[smem:$0x3FC3] =	sst s2  }
0x7: {  	_ = 	snop  }
0x8: {  	s2 =	sld [smem:$0x3FD0];
	(tm) =	ssettm $0x1  }
0x9: {  	s19 =	sld [smem:$0x3FFB];
	_ =	sdelay $0x3  }
0xa: {  	_ =	strace s19  }
0xb: {  	s3 =	sld [smem:$0x3FFC];
	_ =	sdelay $0x3  }
0xc: {  	_ =	strace s3  }
0xd: {  	s3 =	sld [smem:$0x3FFD];
	_ =	sdelay $0x3  }
0xe: {  	_ =	strace s3  }
0xf: {  	_ =	strace $0x8FFFFFFF  }
0x10: {  	s20 =	sld [smem:$0x3FDB];
	_ =	sdelay $0x1  }
0x11: {  	s4 =	simm.s32 $_scs_section_size  }
0x12: {  	s5 =	simm.s32 $_size__tile_overlayer_lowered;
	s6 =	simm.s32 $_tile_overlayer_lowered  }
0x13: {  	s23 =	simm.s32 $0x1BFF;
	s22 =	sshll.u32 s6, $0x1;
	s3 =	sadd.s32 s4, s20  }
0x14: {  	s7 =	simm.s32 $0x0;
	s21 =	sshll.u32 s5, $0x1;
	s5 =	sadd.s32 s22, s3  }
0x15: {  	[timem:s7], [sflag:s23] =	dma.local [hbm:s5], s21  }
0x16: {  	_ =	swait.ge [sflag:s23], s21  }
0x17: {  	s4 =	ssub.s32 $0x0, s21;
	[sflag:s23] =	ssyncset.done $0x0  }
0x18: {  	[sflag:s23] =	ssyncadd.s32 s4;
	_ =	sdelay $0x1  }
0x19: {  	s24 =	simm.s32 $0x1B8B  }
0x1a: {  	_ =	swait.ge [sflag:s24], $0x1  }
0x1b: {  	[sflag:s24] =	ssyncset.done $0x0  }
0x1c: {  	s26 =	simm.s32 $0x1B8E;
	s25 =	sld [smem:$0x3FFE];
	[sflag:s24] =	ssyncadd.s32 $0xFFFFFFFF  }
0x1d: {  	s27 =	simm.s32 $execute0_lowered;
	[smem:$0x3FD2] =	sst s26  }
0x1e: {  	s5 =	sshll.u32 s27, $0x1;
	_ =	strace $0x80000049;
	[dreg:$0x1] =	wrdreg $0xFFFFFFFF  }
0x1f: {  	s28 =	simm.s32 $_size_execute0_lowered;
	s3 =	sadd.s32 s3, s5;
	[dreg:$0x0] =	wrdreg $0x0  }
0x20: {  	s5 =	sshll.u32 s28, $0x1;
	[dreg:$0x2] =	wrdreg s3  }
0x21: {  	[dreg:$0x3] =	wrdreg s5  }
0x22: {  	[dreg:$0x4] =	wrdreg $0xC0  }
0x23: {  	_ =	task [dreg:s7], $0x5FFFF  }
0x24: {  	[dreg:$0x1] =	wrdreg $0xFFFFFFFF  }
0x25: {  	[dreg:$0x0] =	wrdreg $0x60  }
0x26: {  	[dreg:$0x2] =	wrdreg s25  }
0x27: {  	[dreg:$0x3] =	wrdreg s2  }
0x28: {  	[dreg:$0x4] =	wrdreg $0x9  }
0x29: {  	_ =	task.clear_ibuf [dreg:s7], $0x5FFFF;
	_ =	strace $0x90000049  }
0x2a: {  	s29 =	simm.s32 $0x9;
	_ =	strace $0x8000004B  }
0x2b: {  	_ =	swait.ge [sflag:s29], $0x1  }
0x2c: {  	[sflag:s29] =	ssyncadd.s32 $0xFFFFFFFF  }
0x2d: {  	_ =	strace $0x9000004B  }
0x2e: {  	_ =	sfence  }
0x2f: {  	s30 =	sld [smem:$0x0];
	_ =	sdelay $0x2  }
0x30: {  	s31 =	sshll.u32 s1, $0xD;
	s1 =	sshrl.u32 s1, $0x2  }
0x31: {  	s3 =	sand.u32 $0x4000, s31;
	s1 =	sadd.s32 s1, s30  }
0x32: {  	s0 =	sor.u32 s3, s0;
	s1 =	sshll.u32 s1, $0x11  }
0x33: {  	s0 =	sor.u32 s1, s0  }
0x34: {  	s0 =	sadd.s32 $0x8F2B, s0  }
0x35: {  	[sflag:s0] =	ssyncadd.remote.s32 $0x1  }
0x36: {  	_ =	sfence.sel $0xFFFF  }
0x37: {  	[dreg:$0x0] =	wrdreg $0xFFFFFFFF;
	(pc) =	sbr.abs _section_cstart, $3  }
0x38: {  	[dreg:$0x1] =	wrdreg $0xFFFFFFFF  }
0x39: {  	_ =	task.clear_ibuf [dreg:s7], $0x2FFFF;
	_ =	strace $0x9FFFFFFF  }
0x3a: {  	(tm) =	ssettm $0x7FFFFFFF  }
0x3b: {  	_ =	shalt  }
tec
execute0_lowered:
.L_overlay_start_1:
0x0: {  	(tag) =	ssettag $0x1  }
0x1: {  	s4 =	rddreg [dreg:$0x0]  }
0x2: {  	s2 =	rddreg [dreg:$0x1]  }
0x3: {  	s0 =	rddreg [dreg:$0x2];
	_ =	strace $0x8000004A  }
0x4: {  	s3 =	srdreg.scid;
	s1 =	stileid.u32;
	s6 =	simm.s32 $0x2  }
0x5: {  	s16 =	simm.s32 $0x0;
	p0 =	por $0x0, $0x0;
	s14 =	simm.s32 $0x0  }
0x6: {  	s15 =	simm.s32 $0x0;
	s13 =	simm.s32 $0x0;
	s17 =	simm.s32 $0x0  }
.Ltmp0:
0x7: {  	s8 =	simm.s32 $0x0;
	s9 =	simm.s32 $0x0;
	(pc) =	sbr.rel .LBB1_1-.Ltmp0, $4  }
0x8: {  	s10 =	simm.s32 $0x0;
	s11 =	simm.s32 $0x0;
	s5 =	sshll.u32 s3, $0x4  }
0x9: {  	s7 =	simm.s32 $0x0;
	s3 =	simm.s32 $0x1;
	s5 =	sand.u32 $0x10, s5  }
0xa: {  	s4 =	sadd.s32 $0x2000, s4;
	[sflag:s3] =	ssyncpa.u1 $0x0;
	s5 =	sor.u32 s1, s5  }
0xb: {  	[sflag:s6] =	ssyncpa.u1 $0x0;
	s6 =	simm.s32 $0x14000;
	s12 =	smov.u32 s5  }
.LBB1_7:
0xc: {  	s18 =	sadd.s32 $0x20, s8  }
0xd: {  	s13 =	simm.s32 $0x1;
	p2 =	sgt.s32 s18, $0x9F  }
0xe: {  	s13 =	simm.s32 @!p2 $0x0  }
0xf: {  	s19 =	sadd.s32 s13, s9  }
0x10: {  	s20 =	smov.u32 s10;
	s13 =	sadd.s32 $0x4, s10;
	p3 =	sgt.s32 s19, $0x3  }
0x11: {  	s20 =	smov.u32 @p3 s13  }
0x12: {  	s21 =	smov.u32 s11;
	s13 =	sadd.s32 $0x80, s11;
	p4 =	sgt.s32 s20, $0x3  }
0x13: {  	p1 =	slt.u32 s7, $0x2;
	s22 =	smov.u32 s12;
	s21 =	smov.u32 @p4 s13  }
0x14: {  	s7 =	sadd.s32 $0x1, s7;
	s13 =	sadd.s32 $0x20, s12;
	p5 =	sgt.s32 s21, $0x7F  }
0x15: {  	s16 =	smov.u32 s8;
	s14 =	smov.u32 s9;
	s22 =	smov.u32 @p5 s13  }
0x16: {  	s15 =	smov.u32 s10;
	s18 =	simm.s32 @p2 $0x0;
	p2 =	sgt.s32 s22, $0x7F  }
0x17: {  	s23 =	simm.s32 @!p1 $0x2;
	s22 =	smov.u32 @p2 s5;
	p2 =	sne.s32 s7, $0x52  }
.Ltmp1:
0x18: {  	s17 =	smov.u32 s12;
	_ =	swait.ge @!p1 [sflag:s23], $0x4000;
	(pc) =	sbr.rel @!p2 .LBB1_8-.Ltmp1, $4  }
0x19: {  	p0 =	por !p0, !p0;
	[sflag:s23] =	ssyncset.done @!p1 $0x0;
	s8 =	smov.u32 s18  }
0x1a: {  	[sflag:s23] =	ssyncadd.s32 @!p1 $0xFFFFC000;
	s19 =	simm.s32 @p3 $0x0;
	s20 =	simm.s32 @p4 $0x0  }
0x1b: {  	s9 =	smov.u32 s19;
	s10 =	smov.u32 s20;
	s21 =	simm.s32 @p5 $0x0  }
0x1c: {  	s13 =	smov.u32 s11;
	s11 =	smov.u32 s21;
	s12 =	smov.u32 s22  }
.LBB1_1:
0x1d: {  	p1 =	sgt.u32 s7, $0x4F  }
0x1e: {  	s18 =	sxor.u32 @!p1 $0xFFFFFFFF, s7  }
0x1f: {  	s19 =	sshll.u32 @!p1 s8, $0x2;
	s20 =	sand.u32 @!p1 $0x78, s8;
	s21 =	sshll.u32 @!p1 s9, $0x7  }
0x20: {  	s22 =	sshll.u32 @!p1 s12, $0x10;
	s23 =	sshll.u32 @!p1 s11, $0x9;
	s24 =	sshll.u32 @!p1 s10, $0x7  }
0x21: {  	s18 =	sshll.u32 @!p1 s18, $0xE;
	s19 =	sand.u32 @!p1 $0x200, s19;
	s21 =	sand.u32 @!p1 $0x180, s21  }
0x22: {  	s18 =	sand.u32 @!p1 $0x4000, s18;
	s20 =	sor.u32 @!p1 s20, s21;
	s21 =	sadd.s32 @!p1 s4, s22  }
0x23: {  	s19 =	sor.u32 @!p1 s19, s20;
	s20 =	sadd.s32 @!p1 s23, s21;
	s21 =	sand.u32 @!p1 $0x7, s8  }
0x24: {  	s19 =	sshrl.u32 @!p1 s19, $0x3;
	s20 =	sadd.s32 @!p1 s24, s20;
	s21 =	sshll.u32 @!p1 s21, $0x12  }
0x25: {  	s19 =	sadd.s32 @!p1 s19, s20;
	s20 =	sor.u32 @!p1 $0x20, s21;
	s21 =	simm.s32 @!p1 $0x400  }
0x26: {  	[tilespmem:s18], [sflag:$0x1] =	stream.strided.gather @!p1 [hbm4b:s19+s20], $0x4000, s21, s20, $0x38;
	[tilespmem:$0x10100] =	vst v63  }
0x27: {  	p1 =	seq.s32 s7, $0x0  }
0x28: {  	p2 =	seq.s32 @!p1 s7, $0x51  }
0x29: {  	p1 =	por p1, p2  }
.Ltmp2:
0x2a: {  	_ = 	snop;
	(pc) =	sbr.rel @p1 .LBB1_7-.Ltmp2, $1  }
0x2b: {  	_ =	sdelay $0x3  }
0x2c: {  	s18 =	simm.s32 $0x1;
	s20 =	sand.u32 $0x1, s7  }
0x2d: {  	s18 =	simm.s32 @!p0 $0x0;
	s21 =	smul.u32 $0x10200, s20  }
0x2e: {  	_ =	swait.ge [sflag:s3], $0x4000;
	s19 =	smul.u32 $0x10200, s18  }
0x2f: {  	[sflag:s3] =	ssyncset.done $0x0;
	s20 =	sshll.u32 s18, $0xE  }
0x30: {  	[sflag:s3] =	ssyncadd.s32 $0xFFFFC000;
	s31 =	sshrl.u32 s21, $0x2;
	s19 =	sshrl.u32 s19, $0x2  }
0x31: {  	s21 =	simm.s32 $0x0;
	s18 =	sor.u32 $0x8000, s31;
	s19 =	sadd.s32 $0x8810, s19  }
.LBB1_3:
0x32: {  	v0 =	vmov s20;
	_ =	sdelay $0x3  }
0x33: {  	s22 =	simm.s32 $0x0  }
0x34: {  	v1 =	vld.idx.msk [tilespmem:v0+s22+$0x10 ss:$0x1], $0xffff  }
0x35: {  	v2 =	vld.idx.msk [tilespmem:v0+s22+$0x0 ss:$0x1], $0xffff;
	_ =	sdelay $0x1  }
0x36: {  	s23 =	simm.s32 $0x80;
	s22 =	smov.u32 s19  }
.LBB1_4:
0x37: {  	s24 =	sshra.s32 s23, $0x2;
	p1 =	sne.s32 s23, $0x180;
	s23 =	sadd.s32 $0x80, s23  }
.Ltmp3:
0x38: {  	[tilespmem:s22+$0x0 ss:$0x81] =	vst.msk $0xffff, v1;
	v1 =	vld.idx.msk [tilespmem:v0+s24+$0x10 ss:$0x1], $0xffff;
	(pc) =	sbr.rel @p1 .LBB1_4-.Ltmp3, $2  }
0x39: {  	[tilespmem:s22+$0xFFFFF7F0 ss:$0x81] =	vst.msk $0xffff, v2;
	v2 =	vld.idx.msk [tilespmem:v0+s24+$0x0 ss:$0x1], $0xffff;
	_ =	sdelay $0x2  }
0x3a: {  	s22 =	sadd.s32 $0x1020, s22  }
0x3b: {  	s21 =	sadd.s32 $0x1, s21  }
0x3c: {  	p1 =	sne.s32 s21, $0x80  }
.Ltmp4:
0x3d: {  	_ = 	snop;
	(pc) =	sbr.rel @p1 .LBB1_3-.Ltmp4, $3  }
0x3e: {  	_ =	sdelay $0x1  }
0x3f: {  	[tilespmem:s22+$0x0 ss:$0x81] =	vst.msk $0xffff, v1  }
0x40: {  	s19 =	sadd.s32 $0x1, s19;
	s20 =	sadd.s32 $0x80, s20;
	[tilespmem:s22+$0xFFFFF7F0 ss:$0x81] =	vst.msk $0xffff, v2  }
0x41: {  	s16 =	sshll.u32 s16, $0x7;
	s19 =	sshll.u32 s13, $0x3  }
0x42: {  	s20 =	sand.u32 $0xFFFFFC00, s16;
	s19 =	sand.u32 $0xFFFFFC00, s19  }
0x43: {  	s16 =	sand.u32 $0x380, s16;
	s19 =	sadd.s32 s19, s20  }
0x44: {  	s17 =	smul.u32 $0xA000, s17;
	s16 =	sor.u32 s16, s19  }
0x45: {  	s15 =	smul.u32 $0x2800, s15;
	s16 =	sshrl.u32 s16, $0x7  }
0x46: {  	s29 =	smulhi.u32 $0x199999A, s16  }
0x47: {  	s14 =	smul.u32 $0xA00, s14  }
0x48: {  	s30 =	sshrl.u32 s13, $0x3;
	s17 =	sadd.s32 s2, s17;
	s19 =	smul.u32 $0xA0, s29  }
.Ltmp5:
0x49: {  	s20 =	sand.u32 $0xF, s30;
	s15 =	sadd.s32 s15, s17;
	(pc) =	sbr.rel .LBB1_7-.Ltmp5, $4  }
0x4a: {  	s31 =	sand.u32 $0x7, s13;
	s15 =	sadd.s32 s20, s15;
	s16 =	ssub.s32 s16, s19  }
0x4b: {  	s13 =	sshll.u32 s31, $0x12;
	s14 =	sadd.s32 s14, s15;
	s16 =	sshll.u32 s16, $0x4  }
0x4c: {  	s13 =	sor.u32 $0x1000, s13;
	s14 =	sadd.s32 s16, s14  }
0x4d: {  	[hbm4b:s14+s13] =	stream.strided.scatter [tilespmem:s18], [sflag:$0x2], $0x4000, s6, s13, $0x20;
	[tilespmem:$0x10100] =	vst v63  }
.LBB1_8:
0x4e: {  	_ =	sfence.sel $0x180000  }
0x4f: {  	s2 =	simm.s32 $0x1;
	[bflag:$0x0] =	sbarrier.arrive $0xFFFF  }
0x50: {  	s31 =	simm.s32 $0x2;
	[sflag:s2] =	ssyncpa.u1 $0x1  }
0x51: {  	[sflag:s31] =	ssyncpa.u1 $0x1  }
0x52: {  	p0 =	sne.s32 s1, $0x0;
	_ =	strace $0x9000004A  }
0x53: {  	s0 =	sadd.s32 @!p0 $0x100000, s0;
	[bflag:$0x2] =	sbarrier.arrive $0xFFFF  }
0x54: {  	[sflag:s0] =	ssyncadd.tile.s32 @!p0 $0x1;
	_ =	shalt  }
.Lfunc_end1:
_tile_overlayer_lowered:
.L_overlay_start_2:
0x55: {  	(tag) =	ssettag $0x2  }
0x56: {  	s0 =	rddreg [dreg:$0x0];
	s2 =	stileid.u32  }
0x57: {  	s1 =	rddreg [dreg:$0x1];
	p0 =	sne.s32 s2, $0x0  }
0x58: {  	s3 =	rddreg [dreg:$0x2];
	[bflag:$0x3] =	sbarrier.arrive $0xFFFF;
	s2 =	simm.s32 @!p0 $0x1C01  }
0x59: {  	[timem:s3], [sflag:s2] =	dma.local @!p0 [hbm:s0], s1  }
0x5a: {  	s0 =	simm.s32 @!p0 $0x1  }
0x5b: {  	_ =	swait.ge @!p0 [sflag:s0], s1  }
0x5c: {  	s1 =	ssub.s32 @!p0 $0x0, s1;
	[sflag:s0] =	ssyncset.done @!p0 $0x0  }
0x5d: {  	[sflag:s0] =	ssyncadd.s32 @!p0 s1  }
0x5e: {  	[bflag:$0x3] =	sbarrier.arrive $0xFFFF  }
0x5f: {  	_ =	shalt  }

</sc_bundles>
